<compile_context>
chip_gen: v7x
topology: tpu7x:2x2x1
jax: 0.10.2.dev20260603
libtpu: 0.0.44.dev20260713+nightly
codegen_flags: <defaults>
</compile_context>

<pallas_src>
import functools

import jax
import jax.numpy as jnp
from jax import lax
from jax.experimental import pallas as pl
from jax.experimental.pallas import tpu as pltpu
from jax.experimental.pallas import tpu_sc as plsc

KNN = 3
TN = 2048


def _dist_topk_body(x_ref, wt_ref, bias_ref, ytab_ref, idx_ref, dist_ref):
    bidx = pl.program_id(0)
    tile = pl.program_id(1)
    xb = x_ref[0]
    n_pts = xb.shape[1]
    n_rows = TN
    xsl = x_ref[0, :, pl.ds(tile * TN, TN)]
    xt = jnp.transpose(xsl)
    iota_i = lax.broadcasted_iota(jnp.int32, (n_rows, n_pts), 1)
    row_i = lax.broadcasted_iota(jnp.int32, (n_rows, n_pts), 0) + tile * n_rows
    diag_mask = iota_i == row_i
    iota_f = iota_i.astype(jnp.float32)
    ncol = jnp.sum(xb * xb, axis=0, keepdims=True)
    nrow = jnp.transpose(jnp.sum(xsl * xsl, axis=0, keepdims=True))
    dot = lax.dot_general(xt, xb, (((1,), (0,)), ((), ())),
                          preferred_element_type=jnp.float32)
    d2 = (ncol + nrow) - 2.0 * dot
    diag_d2 = jnp.sum(jnp.where(diag_mask, d2, 0.0), axis=1, keepdims=True)
    dist_ref[...] = jnp.where(diag_mask & (diag_d2 < 0.0),
                              jnp.float32(jnp.inf), d2)
    cand_v, cand_i = [], []
    for k in range(KNN + 1):
        d = dist_ref[...]
        m = jnp.min(d, axis=1, keepdims=True)
        sel = jnp.where(d == m, iota_f, jnp.float32(n_pts))
        amin_f = jnp.min(sel, axis=1, keepdims=True)
        cand_v.append(m)
        cand_i.append(amin_f)
        if k < KNN:
            dist_ref[...] = jnp.where(iota_f == amin_f, jnp.float32(jnp.inf), d)
    sq = [jnp.sqrt(v) for v in cand_v]
    order = list(range(KNN + 1))
    sv = list(sq)
    si = list(cand_i)
    for a in range(KNN):
        for bpos in range(KNN, a, -1):
            lo_first = ((sv[bpos] < sv[bpos - 1])
                        | ((sv[bpos] == sv[bpos - 1]) & (si[bpos] < si[bpos - 1])))
            va = jnp.where(lo_first, sv[bpos], sv[bpos - 1])
            vb = jnp.where(lo_first, sv[bpos - 1], sv[bpos])
            ia = jnp.where(lo_first, si[bpos], si[bpos - 1])
            ib = jnp.where(lo_first, si[bpos - 1], si[bpos])
            sv[bpos - 1], sv[bpos] = va, vb
            si[bpos - 1], si[bpos] = ia, ib
    cols = []
    for k in range(KNN):
        idx_i = si[k].astype(jnp.int32)
        cols.append(idx_i + (k * pl.num_programs(0) + bidx) * n_pts)
        yk = lax.dot_general(xt, wt_ref[k], (((1,), (0,)), ((), ())),
                             preferred_element_type=jnp.float32)
        if k == 0:
            yk = yk + bias_ref[...]
        ytab_ref[k, 0] = jnp.concatenate([yk, jnp.zeros_like(yk)], axis=1)
    for k in range(KNN):
        idx_ref[k] = cols[k].reshape(n_rows // 512, 4, 128)


def _dist_topk(x, wt, bias2):
    B, C, N = x.shape
    O = wt.shape[2]
    return pl.pallas_call(
        _dist_topk_body,
        grid=(B, N // TN),
        in_specs=[
            pl.BlockSpec((1, C, N), lambda b, i: (b, 0, 0)),
            pl.BlockSpec((KNN, C, O), lambda b, i: (0, 0, 0)),
            pl.BlockSpec((1, O), lambda b, i: (0, 0)),
        ],
        out_specs=[
            pl.BlockSpec((KNN, 1, TN, 2 * O), lambda b, i: (0, b, i, 0)),
            pl.BlockSpec((KNN, TN // 512, 4, 128), lambda b, i: (0, b, i, 0)),
        ],
        out_shape=[
            jax.ShapeDtypeStruct((KNN, B, N, 2 * O), jnp.float32),
            jax.ShapeDtypeStruct((KNN, (B * N) // 512, 4, 128), jnp.int32),
        ],
        scratch_shapes=[pltpu.VMEM((TN, N), jnp.float32)],
    )(x, wt, bias2)


def _make_sc_gather(n_chunks, feat):
    mesh = plsc.VectorSubcoreMesh(core_axis_name="c", subcore_axis_name="s")
    n_workers = 32

    @functools.partial(
        pl.kernel,
        mesh=mesh,
        compiler_params=pltpu.CompilerParams(use_tc_tiling_on_sc=False),
        out_type=jax.ShapeDtypeStruct((n_workers, n_chunks, 128, feat),
                                      jnp.float32),
        scratch_types=[
            pltpu.VMEM((KNN, n_chunks, 128), jnp.int32),
            pltpu.VMEM((2, KNN, 128, 2 * feat), jnp.float32),
            pltpu.VMEM((128, feat), jnp.float32),
            pltpu.SemaphoreType.DMA,
            pltpu.SemaphoreType.DMA,
        ],
    )
    def sc_gather(ytab_hbm, idx_hbm, out_hbm, idxv, gbuf, ob, sem0, sem1):
        wid = lax.axis_index("s") * 2 + lax.axis_index("c")
        pltpu.sync_copy(idx_hbm.at[:, wid], idxv)
        sems = (sem0, sem1)

        def fire(q):
            bs = q % 2
            return [
                pltpu.async_copy(ytab_hbm.at[idxv.at[k, q]],
                                 gbuf.at[bs, k], sems[bs])
                for k in range(KNN)
            ]

        pending = fire(0)
        for q in range(n_chunks):
            nxt = fire(q + 1) if q + 1 < n_chunks else None
            for c in pending:
                c.wait()
            bs = q % 2

            def body(r, carry):
                for c4 in range(feat // 16):
                    s = pl.ds(c4 * 16, 16)
                    ob[r, s] = (gbuf[bs, 0, r, s] + gbuf[bs, 1, r, s]
                                + gbuf[bs, 2, r, s])
                return carry

            lax.fori_loop(0, 128, body, 0)
            pltpu.sync_copy(ob, out_hbm.at[wid, q])
            pending = nxt

    return sc_gather


def kernel(x, W, b):
    B, C, N = x.shape
    O = W.shape[0]
    wt = jnp.transpose(W, (2, 1, 0))
    bias2 = b.reshape(1, O)

    ytab, idxs = _dist_topk(x, wt, bias2)
    ytab_flat = ytab.reshape(KNN * B * N, 2 * O)

    n_workers = 32
    n_chunks = (B * N) // (n_workers * 128)
    out_rows = _make_sc_gather(n_chunks, O)(ytab_flat, idxs)
    return out_rows.reshape(B, N, O).transpose(0, 2, 1)

# --- scband reference (transcript-rebuilt; emitter-appended) ---
"""Pipeline reference for scband-conv1d-nn-48945447305766 (READ-ONLY COPY).

The authoritative reference and input builder live on the scoring server;
editing this copy changes nothing except your own understanding.
"""

import jax, jax.numpy as jnp
import numpy as np

K = 3
STRIDE = 3


def setup_inputs(seed: int = 0) -> dict:
    key = jax.random.key(seed)
    k1, k2, k3 = jax.random.split(key, 3)
    x = jax.random.normal(k1, (8, 64, 2048), dtype=jnp.float32)
    # Conv1d parameters: weight [out_channels, in_channels, K], bias [out_channels]
    W = jax.random.normal(k2, (64, 64, K), dtype=jnp.float32) * 0.05
    b = jax.random.normal(k3, (64,), dtype=jnp.float32) * 0.05
    return {"x": x, "W": W, "b": b}


def _forward(x, W, b):
    # x: [B, C, N]
    # distance matrix
    norm_sq = jnp.sum(x ** 2, axis=1, keepdims=True)            # [B, 1, N]
    dot = jnp.einsum('bcn,bcm->bnm', x, x)                       # [B, N, N] (bmm(x^T, x))
    dist = jnp.sqrt(norm_sq + jnp.transpose(norm_sq, (0, 2, 1)) - 2.0 * dot)
    # torch.topk indices are non-differentiable -> stop_gradient matches semantics
    dist = jax.lax.stop_gradient(dist)
    # K smallest distances per row (largest=False)
    _, ind = jax.lax.top_k(-dist, K)                             # [B, N, K]
    # vmapped gather: per-batch matrix[:, ind] -> [B, C, N, K]
    neigh = jax.vmap(lambda xb, ib: xb[:, ib])(x, ind)
    # flatten(start_dim=1) inside vmap over batch -> [B, C, N*K]
    prime = neigh.reshape(neigh.shape[0], neigh.shape[1], -1)
    # Conv1d(in_channels, out_channels, kernel=K, stride=K, padding=0)
    out = jax.lax.conv_general_dilated(
        prime, W, window_strides=(STRIDE,), padding='VALID',
        dimension_numbers=('NCH', 'OIH', 'NCH'))
    return out + b[None, :, None]


def reference(x, W, b):
    return _forward(x, W, b)

if __name__ == "__main__":
    import jax
    _d = setup_inputs()
    print(jax.jit(kernel)(*tuple(_d.values())))

</pallas_src>

<mosaic_0001>
#map = affine_map<(d0, d1) -> (0, 0)>
#map1 = affine_map<(d0, d1) -> (0, 0, 0, 0)>
module attributes {stable_mosaic.version = 14 : i64} {
  func.func @sc_gather(%arg0: i32, %arg1: i32, %arg2: memref<49152x128xf32, #tpu.memory_space<hbm>>, %arg3: memref<3x32x4x128xi32, #tpu.memory_space<hbm>>, %arg4: memref<32x4x128x64xf32, #tpu.memory_space<hbm>>, %arg5: memref<3x4x128xi32, #tpu.memory_space<vmem>>, %arg6: memref<2x3x128x128xf32, #tpu.memory_space<vmem>>, %arg7: memref<128x64xf32, #tpu.memory_space<vmem>>, %arg8: memref<!tpu.dma_semaphore, #tpu.memory_space<semaphore_mem>>, %arg9: memref<!tpu.dma_semaphore, #tpu.memory_space<semaphore_mem>>) attributes {dimension_semantics = [#tpu.dimension_semantics<core_parallel>, #tpu.dimension_semantics<subcore_parallel>], iteration_bounds = array<i64: 2, 16>, scalar_prefetch = 0 : i64, scratch_operands = 5 : i64, tpu.core_type = #tpu.core_type<sc_vector_subcore>, window_params = [{transform_indices = #map}, {transform_indices = #map1}, {transform_indices = #map1}]} {
    %mul3A = arith.constant 2 : i32
    %mul3A_0 = arith.muli %arg1, %mul3A : i32
    %add3A = arith.addi %mul3A_0, %arg0 : i32
    "tpu.region"() ({
      %run_scoped3A_361 = tpu.sem_alloc : memref<!tpu.dma_semaphore, #tpu.memory_space<semaphore_mem>>
      %dma_start3A_362 = arith.constant 0 : i32
      %dma_start3A_363 = arith.constant 0 : i32
      %dma_start3A_364 = arith.constant 0 : i32
      %dma_start3A_365 = tpu.memref_slice %arg3[%dma_start3A_362, %add3A, %dma_start3A_363, %dma_start3A_364] : memref<3x32x4x128xi32, #tpu.memory_space<hbm>> -> memref<3x1x4x128xi32, #tpu.memory_space<hbm>>
      %dma_start3A_366 = tpu.memref_squeeze %dma_start3A_365 : memref<3x1x4x128xi32, #tpu.memory_space<hbm>> -> memref<3x4x128xi32, #tpu.memory_space<hbm>>
      %dma_start3A_367 = arith.constant 0 : i32
      %dma_start3A_368 = arith.constant 0 : i32
      %dma_start3A_369 = arith.constant 0 : i32
      %dma_start3A_370 = tpu.memref_slice %arg3[%dma_start3A_367, %add3A, %dma_start3A_368, %dma_start3A_369] : memref<3x32x4x128xi32, #tpu.memory_space<hbm>> -> memref<3x1x4x128xi32, #tpu.memory_space<hbm>>
      %dma_start3A_371 = tpu.memref_squeeze %dma_start3A_370 : memref<3x1x4x128xi32, #tpu.memory_space<hbm>> -> memref<3x4x128xi32, #tpu.memory_space<hbm>>
      tpu.enqueue_dma source(%dma_start3A_371 : memref<3x4x128xi32, #tpu.memory_space<hbm>>) target(%arg5 : memref<3x4x128xi32, #tpu.memory_space<vmem>>) target_semaphore(%run_scoped3A_361 : memref<!tpu.dma_semaphore, #tpu.memory_space<semaphore_mem>>)
      %dma_wait3A_372 = arith.constant 0 : i32
      %dma_wait3A_373 = arith.constant 0 : i32
      %dma_wait3A_374 = arith.constant 0 : i32
      %dma_wait3A_375 = tpu.memref_slice %arg3[%dma_wait3A_372, %add3A, %dma_wait3A_373, %dma_wait3A_374] : memref<3x32x4x128xi32, #tpu.memory_space<hbm>> -> memref<3x1x4x128xi32, #tpu.memory_space<hbm>>
      %dma_wait3A_376 = tpu.memref_squeeze %dma_wait3A_375 : memref<3x1x4x128xi32, #tpu.memory_space<hbm>> -> memref<3x4x128xi32, #tpu.memory_space<hbm>>
      %dma_wait3A_377 = arith.constant 0 : i32
      %dma_wait3A_378 = arith.constant 0 : i32
      %dma_wait3A_379 = arith.constant 0 : i32
      %dma_wait3A_380 = tpu.memref_slice %arg3[%dma_wait3A_377, %add3A, %dma_wait3A_378, %dma_wait3A_379] : memref<3x32x4x128xi32, #tpu.memory_space<hbm>> -> memref<3x1x4x128xi32, #tpu.memory_space<hbm>>
      %dma_wait3A_381 = tpu.memref_squeeze %dma_wait3A_380 : memref<3x1x4x128xi32, #tpu.memory_space<hbm>> -> memref<3x4x128xi32, #tpu.memory_space<hbm>>
      tpu.wait_dma2 semaphore(%run_scoped3A_361 : memref<!tpu.dma_semaphore, #tpu.memory_space<semaphore_mem>>) src(%dma_wait3A_381 : memref<3x4x128xi32, #tpu.memory_space<hbm>>) dst(%arg5 : memref<3x4x128xi32, #tpu.memory_space<vmem>>)
      tpu.yield
    }) : () -> ()
    %dma_start3A = arith.constant 0 : i32
    %dma_start3A_1 = arith.constant 0 : i32
    %dma_start3A_2 = arith.constant 0 : i32
    %dma_start3A_3 = arith.constant 0 : i32
    %dma_start3A_4 = arith.constant 0 : i32
    %dma_start3A_5 = arith.constant 0 : i32
    %dma_start3A_6 = tpu.memref_slice %arg6[%dma_start3A_2, %dma_start3A_3, %dma_start3A_4, %dma_start3A_5] : memref<2x3x128x128xf32, #tpu.memory_space<vmem>> -> memref<1x1x128x128xf32, #tpu.memory_space<vmem>>
    %dma_start3A_7 = tpu.memref_squeeze %dma_start3A_6 : memref<1x1x128x128xf32, #tpu.memory_space<vmem>> -> memref<128x128xf32, #tpu.memory_space<vmem>>
    %dma_start3A_8 = arith.constant 0 : i32
    %dma_start3A_9 = tpu.memref_slice %arg5[%dma_start3A, %dma_start3A_1, %dma_start3A_8] : memref<3x4x128xi32, #tpu.memory_space<vmem>> -> memref<1x1x128xi32, #tpu.memory_space<vmem>>
    %dma_start3A_10 = tpu.memref_squeeze %dma_start3A_9 : memref<1x1x128xi32, #tpu.memory_space<vmem>> -> memref<128xi32, #tpu.memory_space<vmem>>
    %dma_start3A_11 = arith.constant 0 : i32
    %dma_start3A_12 = arith.constant 0 : i32
    %dma_start3A_13 = tpu.memref_slice %arg2[%dma_start3A_11, %dma_start3A_12] : memref<49152x128xf32, #tpu.memory_space<hbm>> -> memref<49152x128xf32, #tpu.memory_space<hbm>>
    tpu.enqueue_indirect_dma source(%dma_start3A_13 : memref<49152x128xf32, #tpu.memory_space<hbm>>) target(%dma_start3A_7 : memref<128x128xf32, #tpu.memory_space<vmem>>) offsets(%dma_start3A_10 : memref<128xi32, #tpu.memory_space<vmem>>) semaphore(%arg8 : memref<!tpu.dma_semaphore, #tpu.memory_space<semaphore_mem>>)
    %dma_start3A_14 = arith.constant 1 : i32
    %dma_start3A_15 = arith.constant 0 : i32
    %dma_start3A_16 = arith.constant 0 : i32
    %dma_start3A_17 = arith.constant 1 : i32
    %dma_start3A_18 = arith.constant 0 : i32
    %dma_start3A_19 = arith.constant 0 : i32
    %dma_start3A_20 = tpu.memref_slice %arg6[%dma_start3A_16, %dma_start3A_17, %dma_start3A_18, %dma_start3A_19] : memref<2x3x128x128xf32, #tpu.memory_space<vmem>> -> memref<1x1x128x128xf32, #tpu.memory_space<vmem>>
    %dma_start3A_21 = tpu.memref_squeeze %dma_start3A_20 : memref<1x1x128x128xf32, #tpu.memory_space<vmem>> -> memref<128x128xf32, #tpu.memory_space<vmem>>
    %dma_start3A_22 = arith.constant 0 : i32
    %dma_start3A_23 = tpu.memref_slice %arg5[%dma_start3A_14, %dma_start3A_15, %dma_start3A_22] : memref<3x4x128xi32, #tpu.memory_space<vmem>> -> memref<1x1x128xi32, #tpu.memory_space<vmem>>
    %dma_start3A_24 = tpu.memref_squeeze %dma_start3A_23 : memref<1x1x128xi32, #tpu.memory_space<vmem>> -> memref<128xi32, #tpu.memory_space<vmem>>
    %dma_start3A_25 = arith.constant 0 : i32
    %dma_start3A_26 = arith.constant 0 : i32
    %dma_start3A_27 = tpu.memref_slice %arg2[%dma_start3A_25, %dma_start3A_26] : memref<49152x128xf32, #tpu.memory_space<hbm>> -> memref<49152x128xf32, #tpu.memory_space<hbm>>
    tpu.enqueue_indirect_dma source(%dma_start3A_27 : memref<49152x128xf32, #tpu.memory_space<hbm>>) target(%dma_start3A_21 : memref<128x128xf32, #tpu.memory_space<vmem>>) offsets(%dma_start3A_24 : memref<128xi32, #tpu.memory_space<vmem>>) semaphore(%arg8 : memref<!tpu.dma_semaphore, #tpu.memory_space<semaphore_mem>>)
    %dma_start3A_28 = arith.constant 2 : i32
    %dma_start3A_29 = arith.constant 0 : i32
    %dma_start3A_30 = arith.constant 0 : i32
    %dma_start3A_31 = arith.constant 2 : i32
    %dma_start3A_32 = arith.constant 0 : i32
    %dma_start3A_33 = arith.constant 0 : i32
    %dma_start3A_34 = tpu.memref_slice %arg6[%dma_start3A_30, %dma_start3A_31, %dma_start3A_32, %dma_start3A_33] : memref<2x3x128x128xf32, #tpu.memory_space<vmem>> -> memref<1x1x128x128xf32, #tpu.memory_space<vmem>>
    %dma_start3A_35 = tpu.memref_squeeze %dma_start3A_34 : memref<1x1x128x128xf32, #tpu.memory_space<vmem>> -> memref<128x128xf32, #tpu.memory_space<vmem>>
    %dma_start3A_36 = arith.constant 0 : i32
    %dma_start3A_37 = tpu.memref_slice %arg5[%dma_start3A_28, %dma_start3A_29, %dma_start3A_36] : memref<3x4x128xi32, #tpu.memory_space<vmem>> -> memref<1x1x128xi32, #tpu.memory_space<vmem>>
    %dma_start3A_38 = tpu.memref_squeeze %dma_start3A_37 : memref<1x1x128xi32, #tpu.memory_space<vmem>> -> memref<128xi32, #tpu.memory_space<vmem>>
    %dma_start3A_39 = arith.constant 0 : i32
    %dma_start3A_40 = arith.constant 0 : i32
    %dma_start3A_41 = tpu.memref_slice %arg2[%dma_start3A_39, %dma_start3A_40] : memref<49152x128xf32, #tpu.memory_space<hbm>> -> memref<49152x128xf32, #tpu.memory_space<hbm>>
    tpu.enqueue_indirect_dma source(%dma_start3A_41 : memref<49152x128xf32, #tpu.memory_space<hbm>>) target(%dma_start3A_35 : memref<128x128xf32, #tpu.memory_space<vmem>>) offsets(%dma_start3A_38 : memref<128xi32, #tpu.memory_space<vmem>>) semaphore(%arg8 : memref<!tpu.dma_semaphore, #tpu.memory_space<semaphore_mem>>)
    %dma_start3A_42 = arith.constant 0 : i32
    %dma_start3A_43 = arith.constant 1 : i32
    %dma_start3A_44 = arith.constant 1 : i32
    %dma_start3A_45 = arith.constant 0 : i32
    %dma_start3A_46 = arith.constant 0 : i32
    %dma_start3A_47 = arith.constant 0 : i32
    %dma_start3A_48 = tpu.memref_slice %arg6[%dma_start3A_44, %dma_start3A_45, %dma_start3A_46, %dma_start3A_47] : memref<2x3x128x128xf32, #tpu.memory_space<vmem>> -> memref<1x1x128x128xf32, #tpu.memory_space<vmem>>
    %dma_start3A_49 = tpu.memref_squeeze %dma_start3A_48 : memref<1x1x128x128xf32, #tpu.memory_space<vmem>> -> memref<128x128xf32, #tpu.memory_space<vmem>>
    %dma_start3A_50 = arith.constant 0 : i32
    %dma_start3A_51 = tpu.memref_slice %arg5[%dma_start3A_42, %dma_start3A_43, %dma_start3A_50] : memref<3x4x128xi32, #tpu.memory_space<vmem>> -> memref<1x1x128xi32, #tpu.memory_space<vmem>>
    %dma_start3A_52 = tpu.memref_squeeze %dma_start3A_51 : memref<1x1x128xi32, #tpu.memory_space<vmem>> -> memref<128xi32, #tpu.memory_space<vmem>>
    %dma_start3A_53 = arith.constant 0 : i32
    %dma_start3A_54 = arith.constant 0 : i32
    %dma_start3A_55 = tpu.memref_slice %arg2[%dma_start3A_53, %dma_start3A_54] : memref<49152x128xf32, #tpu.memory_space<hbm>> -> memref<49152x128xf32, #tpu.memory_space<hbm>>
    tpu.enqueue_indirect_dma source(%dma_start3A_55 : memref<49152x128xf32, #tpu.memory_space<hbm>>) target(%dma_start3A_49 : memref<128x128xf32, #tpu.memory_space<vmem>>) offsets(%dma_start3A_52 : memref<128xi32, #tpu.memory_space<vmem>>) semaphore(%arg9 : memref<!tpu.dma_semaphore, #tpu.memory_space<semaphore_mem>>)
    %dma_start3A_56 = arith.constant 1 : i32
    %dma_start3A_57 = arith.constant 1 : i32
    %dma_start3A_58 = arith.constant 1 : i32
    %dma_start3A_59 = arith.constant 1 : i32
    %dma_start3A_60 = arith.constant 0 : i32
    %dma_start3A_61 = arith.constant 0 : i32
    %dma_start3A_62 = tpu.memref_slice %arg6[%dma_start3A_58, %dma_start3A_59, %dma_start3A_60, %dma_start3A_61] : memref<2x3x128x128xf32, #tpu.memory_space<vmem>> -> memref<1x1x128x128xf32, #tpu.memory_space<vmem>>
    %dma_start3A_63 = tpu.memref_squeeze %dma_start3A_62 : memref<1x1x128x128xf32, #tpu.memory_space<vmem>> -> memref<128x128xf32, #tpu.memory_space<vmem>>
    %dma_start3A_64 = arith.constant 0 : i32
    %dma_start3A_65 = tpu.memref_slice %arg5[%dma_start3A_56, %dma_start3A_57, %dma_start3A_64] : memref<3x4x128xi32, #tpu.memory_space<vmem>> -> memref<1x1x128xi32, #tpu.memory_space<vmem>>
    %dma_start3A_66 = tpu.memref_squeeze %dma_start3A_65 : memref<1x1x128xi32, #tpu.memory_space<vmem>> -> memref<128xi32, #tpu.memory_space<vmem>>
    %dma_start3A_67 = arith.constant 0 : i32
    %dma_start3A_68 = arith.constant 0 : i32
    %dma_start3A_69 = tpu.memref_slice %arg2[%dma_start3A_67, %dma_start3A_68] : memref<49152x128xf32, #tpu.memory_space<hbm>> -> memref<49152x128xf32, #tpu.memory_space<hbm>>
    tpu.enqueue_indirect_dma source(%dma_start3A_69 : memref<49152x128xf32, #tpu.memory_space<hbm>>) target(%dma_start3A_63 : memref<128x128xf32, #tpu.memory_space<vmem>>) offsets(%dma_start3A_66 : memref<128xi32, #tpu.memory_space<vmem>>) semaphore(%arg9 : memref<!tpu.dma_semaphore, #tpu.memory_space<semaphore_mem>>)
    %dma_start3A_70 = arith.constant 2 : i32
    %dma_start3A_71 = arith.constant 1 : i32
    %dma_start3A_72 = arith.constant 1 : i32
    %dma_start3A_73 = arith.constant 2 : i32
    %dma_start3A_74 = arith.constant 0 : i32
    %dma_start3A_75 = arith.constant 0 : i32
    %dma_start3A_76 = tpu.memref_slice %arg6[%dma_start3A_72, %dma_start3A_73, %dma_start3A_74, %dma_start3A_75] : memref<2x3x128x128xf32, #tpu.memory_space<vmem>> -> memref<1x1x128x128xf32, #tpu.memory_space<vmem>>
    %dma_start3A_77 = tpu.memref_squeeze %dma_start3A_76 : memref<1x1x128x128xf32, #tpu.memory_space<vmem>> -> memref<128x128xf32, #tpu.memory_space<vmem>>
    %dma_start3A_78 = arith.constant 0 : i32
    %dma_start3A_79 = tpu.memref_slice %arg5[%dma_start3A_70, %dma_start3A_71, %dma_start3A_78] : memref<3x4x128xi32, #tpu.memory_space<vmem>> -> memref<1x1x128xi32, #tpu.memory_space<vmem>>
    %dma_start3A_80 = tpu.memref_squeeze %dma_start3A_79 : memref<1x1x128xi32, #tpu.memory_space<vmem>> -> memref<128xi32, #tpu.memory_space<vmem>>
    %dma_start3A_81 = arith.constant 0 : i32
    %dma_start3A_82 = arith.constant 0 : i32
    %dma_start3A_83 = tpu.memref_slice %arg2[%dma_start3A_81, %dma_start3A_82] : memref<49152x128xf32, #tpu.memory_space<hbm>> -> memref<49152x128xf32, #tpu.memory_space<hbm>>
    tpu.enqueue_indirect_dma source(%dma_start3A_83 : memref<49152x128xf32, #tpu.memory_space<hbm>>) target(%dma_start3A_77 : memref<128x128xf32, #tpu.memory_space<vmem>>) offsets(%dma_start3A_80 : memref<128xi32, #tpu.memory_space<vmem>>) semaphore(%arg9 : memref<!tpu.dma_semaphore, #tpu.memory_space<semaphore_mem>>)
    %dma_wait3A = arith.constant 0 : i32
    %dma_wait3A_84 = arith.constant 0 : i32
    %dma_wait3A_85 = arith.constant 0 : i32
    %dma_wait3A_86 = arith.constant 0 : i32
    %dma_wait3A_87 = arith.constant 0 : i32
    %dma_wait3A_88 = arith.constant 0 : i32
    %dma_wait3A_89 = tpu.memref_slice %arg6[%dma_wait3A_85, %dma_wait3A_86, %dma_wait3A_87, %dma_wait3A_88] : memref<2x3x128x128xf32, #tpu.memory_space<vmem>> -> memref<1x1x128x128xf32, #tpu.memory_space<vmem>>
    %dma_wait3A_90 = tpu.memref_squeeze %dma_wait3A_89 : memref<1x1x128x128xf32, #tpu.memory_space<vmem>> -> memref<128x128xf32, #tpu.memory_space<vmem>>
    %dma_wait3A_91 = arith.constant 0 : i32
    %dma_wait3A_92 = tpu.memref_slice %arg5[%dma_wait3A, %dma_wait3A_84, %dma_wait3A_91] : memref<3x4x128xi32, #tpu.memory_space<vmem>> -> memref<1x1x128xi32, #tpu.memory_space<vmem>>
    %dma_wait3A_93 = tpu.memref_squeeze %dma_wait3A_92 : memref<1x1x128xi32, #tpu.memory_space<vmem>> -> memref<128xi32, #tpu.memory_space<vmem>>
    %dma_wait3A_94 = arith.constant 0 : i32
    %dma_wait3A_95 = arith.constant 0 : i32
    %dma_wait3A_96 = tpu.memref_slice %arg2[%dma_wait3A_94, %dma_wait3A_95] : memref<49152x128xf32, #tpu.memory_space<hbm>> -> memref<49152x128xf32, #tpu.memory_space<hbm>>
    tpu.wait_indirect_dma semaphore(%arg8 : memref<!tpu.dma_semaphore, #tpu.memory_space<semaphore_mem>>) src(%dma_wait3A_96 : memref<49152x128xf32, #tpu.memory_space<hbm>>) dst(%dma_wait3A_90 : memref<128x128xf32, #tpu.memory_space<vmem>>)
    %dma_wait3A_97 = arith.constant 1 : i32
    %dma_wait3A_98 = arith.constant 0 : i32
    %dma_wait3A_99 = arith.constant 0 : i32
    %dma_wait3A_100 = arith.constant 1 : i32
    %dma_wait3A_101 = arith.constant 0 : i32
    %dma_wait3A_102 = arith.constant 0 : i32
    %dma_wait3A_103 = tpu.memref_slice %arg6[%dma_wait3A_99, %dma_wait3A_100, %dma_wait3A_101, %dma_wait3A_102] : memref<2x3x128x128xf32, #tpu.memory_space<vmem>> -> memref<1x1x128x128xf32, #tpu.memory_space<vmem>>
    %dma_wait3A_104 = tpu.memref_squeeze %dma_wait3A_103 : memref<1x1x128x128xf32, #tpu.memory_space<vmem>> -> memref<128x128xf32, #tpu.memory_space<vmem>>
    %dma_wait3A_105 = arith.constant 0 : i32
    %dma_wait3A_106 = tpu.memref_slice %arg5[%dma_wait3A_97, %dma_wait3A_98, %dma_wait3A_105] : memref<3x4x128xi32, #tpu.memory_space<vmem>> -> memref<1x1x128xi32, #tpu.memory_space<vmem>>
    %dma_wait3A_107 = tpu.memref_squeeze %dma_wait3A_106 : memref<1x1x128xi32, #tpu.memory_space<vmem>> -> memref<128xi32, #tpu.memory_space<vmem>>
    %dma_wait3A_108 = arith.constant 0 : i32
    %dma_wait3A_109 = arith.constant 0 : i32
    %dma_wait3A_110 = tpu.memref_slice %arg2[%dma_wait3A_108, %dma_wait3A_109] : memref<49152x128xf32, #tpu.memory_space<hbm>> -> memref<49152x128xf32, #tpu.memory_space<hbm>>
    tpu.wait_indirect_dma semaphore(%arg8 : memref<!tpu.dma_semaphore, #tpu.memory_space<semaphore_mem>>) src(%dma_wait3A_110 : memref<49152x128xf32, #tpu.memory_space<hbm>>) dst(%dma_wait3A_104 : memref<128x128xf32, #tpu.memory_space<vmem>>)
    %dma_wait3A_111 = arith.constant 2 : i32
    %dma_wait3A_112 = arith.constant 0 : i32
    %dma_wait3A_113 = arith.constant 0 : i32
    %dma_wait3A_114 = arith.constant 2 : i32
    %dma_wait3A_115 = arith.constant 0 : i32
    %dma_wait3A_116 = arith.constant 0 : i32
    %dma_wait3A_117 = tpu.memref_slice %arg6[%dma_wait3A_113, %dma_wait3A_114, %dma_wait3A_115, %dma_wait3A_116] : memref<2x3x128x128xf32, #tpu.memory_space<vmem>> -> memref<1x1x128x128xf32, #tpu.memory_space<vmem>>
    %dma_wait3A_118 = tpu.memref_squeeze %dma_wait3A_117 : memref<1x1x128x128xf32, #tpu.memory_space<vmem>> -> memref<128x128xf32, #tpu.memory_space<vmem>>
    %dma_wait3A_119 = arith.constant 0 : i32
    %dma_wait3A_120 = tpu.memref_slice %arg5[%dma_wait3A_111, %dma_wait3A_112, %dma_wait3A_119] : memref<3x4x128xi32, #tpu.memory_space<vmem>> -> memref<1x1x128xi32, #tpu.memory_space<vmem>>
    %dma_wait3A_121 = tpu.memref_squeeze %dma_wait3A_120 : memref<1x1x128xi32, #tpu.memory_space<vmem>> -> memref<128xi32, #tpu.memory_space<vmem>>
    %dma_wait3A_122 = arith.constant 0 : i32
    %dma_wait3A_123 = arith.constant 0 : i32
    %dma_wait3A_124 = tpu.memref_slice %arg2[%dma_wait3A_122, %dma_wait3A_123] : memref<49152x128xf32, #tpu.memory_space<hbm>> -> memref<49152x128xf32, #tpu.memory_space<hbm>>
    tpu.wait_indirect_dma semaphore(%arg8 : memref<!tpu.dma_semaphore, #tpu.memory_space<semaphore_mem>>) src(%dma_wait3A_124 : memref<49152x128xf32, #tpu.memory_space<hbm>>) dst(%dma_wait3A_118 : memref<128x128xf32, #tpu.memory_space<vmem>>)
    %scan3A = arith.constant 0 : i32
    %scan3A_125 = arith.constant 0 : i32
    %scan3A_126 = arith.constant 128 : i32
    %scan3A_127 = arith.addi %scan3A_125, %scan3A_126 : i32
    %scan3A_128 = arith.constant 1 : i32
    scf.for %scan3A_361 = %scan3A_125 to %scan3A_127 step %scan3A_128  : i32 {
      %get3A = arith.constant 0 : i32
      %get3A_362 = arith.constant 0 : i32
      %get3A_363 = arith.index_cast %get3A : i32 to index
      %get3A_364 = arith.index_cast %get3A_362 : i32 to index
      %get3A_365 = arith.index_cast %scan3A_361 : i32 to index
      %get3A_366 = arith.constant 0 : index
      %get3A_367 = tpu.vector_load %arg6[%get3A_363, %get3A_364, %get3A_365, %get3A_366] {strides = array<i32>} : memref<2x3x128x128xf32, #tpu.memory_space<vmem>>, vector<1x1x1x16xf32>,
      %get3A_368 = vector.shape_cast %get3A_367 : vector<1x1x1x16xf32> to vector<16xf32>
      %get3A_369 = arith.constant 0 : i32
      %get3A_370 = arith.constant 1 : i32
      %get3A_371 = arith.index_cast %get3A_369 : i32 to index
      %get3A_372 = arith.index_cast %get3A_370 : i32 to index
      %get3A_373 = arith.index_cast %scan3A_361 : i32 to index
      %get3A_374 = arith.constant 0 : index
      %get3A_375 = tpu.vector_load %arg6[%get3A_371, %get3A_372, %get3A_373, %get3A_374] {strides = array<i32>} : memref<2x3x128x128xf32, #tpu.memory_space<vmem>>, vector<1x1x1x16xf32>,
      %get3A_376 = vector.shape_cast %get3A_375 : vector<1x1x1x16xf32> to vector<16xf32>
      %add3A_377 = arith.addf %get3A_368, %get3A_376 : vector<16xf32>
      %get3A_378 = arith.constant 0 : i32
      %get3A_379 = arith.constant 2 : i32
      %get3A_380 = arith.index_cast %get3A_378 : i32 to index
      %get3A_381 = arith.index_cast %get3A_379 : i32 to index
      %get3A_382 = arith.index_cast %scan3A_361 : i32 to index
      %get3A_383 = arith.constant 0 : index
      %get3A_384 = tpu.vector_load %arg6[%get3A_380, %get3A_381, %get3A_382, %get3A_383] {strides = array<i32>} : memref<2x3x128x128xf32, #tpu.memory_space<vmem>>, vector<1x1x1x16xf32>,
      %get3A_385 = vector.shape_cast %get3A_384 : vector<1x1x1x16xf32> to vector<16xf32>
      %add3A_386 = arith.addf %add3A_377, %get3A_385 : vector<16xf32>
      %swap3A = arith.index_cast %scan3A_361 : i32 to index
      %swap3A_387 = arith.constant 0 : index
      %swap3A_388 = tpu.vector_load %arg7[%swap3A, %swap3A_387] {strides = array<i32>} : memref<128x64xf32, #tpu.memory_space<vmem>>, vector<1x16xf32>,
      %swap3A_389 = vector.shape_cast %swap3A_388 : vector<1x16xf32> to vector<16xf32>
      %swap3A_390 = vector.shape_cast %add3A_386 : vector<16xf32> to vector<1x16xf32>
      tpu.vector_store %arg7[%swap3A, %swap3A_387], %swap3A_390 {strides = array<i32>} : memref<128x64xf32, #tpu.memory_space<vmem>>, vector<1x16xf32>,
      %get3A_391 = arith.constant 0 : i32
      %get3A_392 = arith.constant 0 : i32
      %get3A_393 = arith.index_cast %get3A_391 : i32 to index
      %get3A_394 = arith.index_cast %get3A_392 : i32 to index
      %get3A_395 = arith.index_cast %scan3A_361 : i32 to index
      %get3A_396 = arith.constant 16 : index
      %get3A_397 = tpu.vector_load %arg6[%get3A_393, %get3A_394, %get3A_395, %get3A_396] {strides = array<i32>} : memref<2x3x128x128xf32, #tpu.memory_space<vmem>>, vector<1x1x1x16xf32>,
      %get3A_398 = vector.shape_cast %get3A_397 : vector<1x1x1x16xf32> to vector<16xf32>
      %get3A_399 = arith.constant 0 : i32
      %get3A_400 = arith.constant 1 : i32
      %get3A_401 = arith.index_cast %get3A_399 : i32 to index
      %get3A_402 = arith.index_cast %get3A_400 : i32 to index
      %get3A_403 = arith.index_cast %scan3A_361 : i32 to index
      %get3A_404 = arith.constant 16 : index
      %get3A_405 = tpu.vector_load %arg6[%get3A_401, %get3A_402, %get3A_403, %get3A_404] {strides = array<i32>} : memref<2x3x128x128xf32, #tpu.memory_space<vmem>>, vector<1x1x1x16xf32>,
      %get3A_406 = vector.shape_cast %get3A_405 : vector<1x1x1x16xf32> to vector<16xf32>
      %add3A_407 = arith.addf %get3A_398, %get3A_406 : vector<16xf32>
      %get3A_408 = arith.constant 0 : i32
      %get3A_409 = arith.constant 2 : i32
      %get3A_410 = arith.index_cast %get3A_408 : i32 to index
      %get3A_411 = arith.index_cast %get3A_409 : i32 to index
      %get3A_412 = arith.index_cast %scan3A_361 : i32 to index
      %get3A_413 = arith.constant 16 : index
      %get3A_414 = tpu.vector_load %arg6[%get3A_410, %get3A_411, %get3A_412, %get3A_413] {strides = array<i32>} : memref<2x3x128x128xf32, #tpu.memory_space<vmem>>, vector<1x1x1x16xf32>,
      %get3A_415 = vector.shape_cast %get3A_414 : vector<1x1x1x16xf32> to vector<16xf32>
      %add3A_416 = arith.addf %add3A_407, %get3A_415 : vector<16xf32>
      %swap3A_417 = arith.index_cast %scan3A_361 : i32 to index
      %swap3A_418 = arith.constant 16 : index
      %swap3A_419 = tpu.vector_load %arg7[%swap3A_417, %swap3A_418] {strides = array<i32>} : memref<128x64xf32, #tpu.memory_space<vmem>>, vector<1x16xf32>,
      %swap3A_420 = vector.shape_cast %swap3A_419 : vector<1x16xf32> to vector<16xf32>
      %swap3A_421 = vector.shape_cast %add3A_416 : vector<16xf32> to vector<1x16xf32>
      tpu.vector_store %arg7[%swap3A_417, %swap3A_418], %swap3A_421 {strides = array<i32>} : memref<128x64xf32, #tpu.memory_space<vmem>>, vector<1x16xf32>,
      %get3A_422 = arith.constant 0 : i32
      %get3A_423 = arith.constant 0 : i32
      %get3A_424 = arith.index_cast %get3A_422 : i32 to index
      %get3A_425 = arith.index_cast %get3A_423 : i32 to index
      %get3A_426 = arith.index_cast %scan3A_361 : i32 to index
      %get3A_427 = arith.constant 32 : index
      %get3A_428 = tpu.vector_load %arg6[%get3A_424, %get3A_425, %get3A_426, %get3A_427] {strides = array<i32>} : memref<2x3x128x128xf32, #tpu.memory_space<vmem>>, vector<1x1x1x16xf32>,
      %get3A_429 = vector.shape_cast %get3A_428 : vector<1x1x1x16xf32> to vector<16xf32>
      %get3A_430 = arith.constant 0 : i32
      %get3A_431 = arith.constant 1 : i32
      %get3A_432 = arith.index_cast %get3A_430 : i32 to index
      %get3A_433 = arith.index_cast %get3A_431 : i32 to index
      %get3A_434 = arith.index_cast %scan3A_361 : i32 to index
      %get3A_435 = arith.constant 32 : index
      %get3A_436 = tpu.vector_load %arg6[%get3A_432, %get3A_433, %get3A_434, %get3A_435] {strides = array<i32>} : memref<2x3x128x128xf32, #tpu.memory_space<vmem>>, vector<1x1x1x16xf32>,
      %get3A_437 = vector.shape_cast %get3A_436 : vector<1x1x1x16xf32> to vector<16xf32>
      %add3A_438 = arith.addf %get3A_429, %get3A_437 : vector<16xf32>
      %get3A_439 = arith.constant 0 : i32
      %get3A_440 = arith.constant 2 : i32
      %get3A_441 = arith.index_cast %get3A_439 : i32 to index
      %get3A_442 = arith.index_cast %get3A_440 : i32 to index
      %get3A_443 = arith.index_cast %scan3A_361 : i32 to index
      %get3A_444 = arith.constant 32 : index
      %get3A_445 = tpu.vector_load %arg6[%get3A_441, %get3A_442, %get3A_443, %get3A_444] {strides = array<i32>} : memref<2x3x128x128xf32, #tpu.memory_space<vmem>>, vector<1x1x1x16xf32>,
      %get3A_446 = vector.shape_cast %get3A_445 : vector<1x1x1x16xf32> to vector<16xf32>
      %add3A_447 = arith.addf %add3A_438, %get3A_446 : vector<16xf32>
      %swap3A_448 = arith.index_cast %scan3A_361 : i32 to index
      %swap3A_449 = arith.constant 32 : index
      %swap3A_450 = tpu.vector_load %arg7[%swap3A_448, %swap3A_449] {strides = array<i32>} : memref<128x64xf32, #tpu.memory_space<vmem>>, vector<1x16xf32>,
      %swap3A_451 = vector.shape_cast %swap3A_450 : vector<1x16xf32> to vector<16xf32>
      %swap3A_452 = vector.shape_cast %add3A_447 : vector<16xf32> to vector<1x16xf32>
      tpu.vector_store %arg7[%swap3A_448, %swap3A_449], %swap3A_452 {strides = array<i32>} : memref<128x64xf32, #tpu.memory_space<vmem>>, vector<1x16xf32>,
      %get3A_453 = arith.constant 0 : i32
      %get3A_454 = arith.constant 0 : i32
      %get3A_455 = arith.index_cast %get3A_453 : i32 to index
      %get3A_456 = arith.index_cast %get3A_454 : i32 to index
      %get3A_457 = arith.index_cast %scan3A_361 : i32 to index
      %get3A_458 = arith.constant 48 : index
      %get3A_459 = tpu.vector_load %arg6[%get3A_455, %get3A_456, %get3A_457, %get3A_458] {strides = array<i32>} : memref<2x3x128x128xf32, #tpu.memory_space<vmem>>, vector<1x1x1x16xf32>,
      %get3A_460 = vector.shape_cast %get3A_459 : vector<1x1x1x16xf32> to vector<16xf32>
      %get3A_461 = arith.constant 0 : i32
      %get3A_462 = arith.constant 1 : i32
      %get3A_463 = arith.index_cast %get3A_461 : i32 to index
      %get3A_464 = arith.index_cast %get3A_462 : i32 to index
      %get3A_465 = arith.index_cast %scan3A_361 : i32 to index
      %get3A_466 = arith.constant 48 : index
      %get3A_467 = tpu.vector_load %arg6[%get3A_463, %get3A_464, %get3A_465, %get3A_466] {strides = array<i32>} : memref<2x3x128x128xf32, #tpu.memory_space<vmem>>, vector<1x1x1x16xf32>,
      %get3A_468 = vector.shape_cast %get3A_467 : vector<1x1x1x16xf32> to vector<16xf32>
      %add3A_469 = arith.addf %get3A_460, %get3A_468 : vector<16xf32>
      %get3A_470 = arith.constant 0 : i32
      %get3A_471 = arith.constant 2 : i32
      %get3A_472 = arith.index_cast %get3A_470 : i32 to index
      %get3A_473 = arith.index_cast %get3A_471 : i32 to index
      %get3A_474 = arith.index_cast %scan3A_361 : i32 to index
      %get3A_475 = arith.constant 48 : index
      %get3A_476 = tpu.vector_load %arg6[%get3A_472, %get3A_473, %get3A_474, %get3A_475] {strides = array<i32>} : memref<2x3x128x128xf32, #tpu.memory_space<vmem>>, vector<1x1x1x16xf32>,
      %get3A_477 = vector.shape_cast %get3A_476 : vector<1x1x1x16xf32> to vector<16xf32>
      %add3A_478 = arith.addf %add3A_469, %get3A_477 : vector<16xf32>
      %swap3A_479 = arith.index_cast %scan3A_361 : i32 to index
      %swap3A_480 = arith.constant 48 : index
      %swap3A_481 = tpu.vector_load %arg7[%swap3A_479, %swap3A_480] {strides = array<i32>} : memref<128x64xf32, #tpu.memory_space<vmem>>, vector<1x16xf32>,
      %swap3A_482 = vector.shape_cast %swap3A_481 : vector<1x16xf32> to vector<16xf32>
      %swap3A_483 = vector.shape_cast %add3A_478 : vector<16xf32> to vector<1x16xf32>
      tpu.vector_store %arg7[%swap3A_479, %swap3A_480], %swap3A_483 {strides = array<i32>} : memref<128x64xf32, #tpu.memory_space<vmem>>, vector<1x16xf32>,
    }
    %scan3A_129 = arith.constant 128 : i32
    %run_scoped3A = arith.constant 0 : i32
    "tpu.region"() ({
      %run_scoped3A_361 = tpu.sem_alloc : memref<!tpu.dma_semaphore, #tpu.memory_space<semaphore_mem>>
      %dma_start3A_362 = arith.constant 0 : i32
      %dma_start3A_363 = arith.constant 0 : i32
      %dma_start3A_364 = tpu.memref_slice %arg4[%add3A, %run_scoped3A, %dma_start3A_362, %dma_start3A_363] : memref<32x4x128x64xf32, #tpu.memory_space<hbm>> -> memref<1x1x128x64xf32, #tpu.memory_space<hbm>>
      %dma_start3A_365 = tpu.memref_squeeze %dma_start3A_364 : memref<1x1x128x64xf32, #tpu.memory_space<hbm>> -> memref<128x64xf32, #tpu.memory_space<hbm>>
      %dma_start3A_366 = arith.constant 0 : i32
      %dma_start3A_367 = arith.constant 0 : i32
      %dma_start3A_368 = tpu.memref_slice %arg4[%add3A, %run_scoped3A, %dma_start3A_366, %dma_start3A_367] : memref<32x4x128x64xf32, #tpu.memory_space<hbm>> -> memref<1x1x128x64xf32, #tpu.memory_space<hbm>>
      %dma_start3A_369 = tpu.memref_squeeze %dma_start3A_368 : memref<1x1x128x64xf32, #tpu.memory_space<hbm>> -> memref<128x64xf32, #tpu.memory_space<hbm>>
      tpu.enqueue_dma source(%arg7 : memref<128x64xf32, #tpu.memory_space<vmem>>) target(%dma_start3A_369 : memref<128x64xf32, #tpu.memory_space<hbm>>) target_semaphore(%run_scoped3A_361 : memref<!tpu.dma_semaphore, #tpu.memory_space<semaphore_mem>>)
      %dma_wait3A_370 = arith.constant 0 : i32
      %dma_wait3A_371 = arith.constant 0 : i32
      %dma_wait3A_372 = tpu.memref_slice %arg4[%add3A, %run_scoped3A, %dma_wait3A_370, %dma_wait3A_371] : memref<32x4x128x64xf32, #tpu.memory_space<hbm>> -> memref<1x1x128x64xf32, #tpu.memory_space<hbm>>
      %dma_wait3A_373 = tpu.memref_squeeze %dma_wait3A_372 : memref<1x1x128x64xf32, #tpu.memory_space<hbm>> -> memref<128x64xf32, #tpu.memory_space<hbm>>
      %dma_wait3A_374 = arith.constant 0 : i32
      %dma_wait3A_375 = arith.constant 0 : i32
      %dma_wait3A_376 = tpu.memref_slice %arg4[%add3A, %run_scoped3A, %dma_wait3A_374, %dma_wait3A_375] : memref<32x4x128x64xf32, #tpu.memory_space<hbm>> -> memref<1x1x128x64xf32, #tpu.memory_space<hbm>>
      %dma_wait3A_377 = tpu.memref_squeeze %dma_wait3A_376 : memref<1x1x128x64xf32, #tpu.memory_space<hbm>> -> memref<128x64xf32, #tpu.memory_space<hbm>>
      tpu.wait_dma2 semaphore(%run_scoped3A_361 : memref<!tpu.dma_semaphore, #tpu.memory_space<semaphore_mem>>) src(%arg7 : memref<128x64xf32, #tpu.memory_space<vmem>>) dst(%dma_wait3A_377 : memref<128x64xf32, #tpu.memory_space<hbm>>)
      tpu.yield
    }) : () -> ()
    %dma_start3A_130 = arith.constant 0 : i32
    %dma_start3A_131 = arith.constant 2 : i32
    %dma_start3A_132 = arith.constant 0 : i32
    %dma_start3A_133 = arith.constant 0 : i32
    %dma_start3A_134 = arith.constant 0 : i32
    %dma_start3A_135 = arith.constant 0 : i32
    %dma_start3A_136 = tpu.memref_slice %arg6[%dma_start3A_132, %dma_start3A_133, %dma_start3A_134, %dma_start3A_135] : memref<2x3x128x128xf32, #tpu.memory_space<vmem>> -> memref<1x1x128x128xf32, #tpu.memory_space<vmem>>
    %dma_start3A_137 = tpu.memref_squeeze %dma_start3A_136 : memref<1x1x128x128xf32, #tpu.memory_space<vmem>> -> memref<128x128xf32, #tpu.memory_space<vmem>>
    %dma_start3A_138 = arith.constant 0 : i32
    %dma_start3A_139 = tpu.memref_slice %arg5[%dma_start3A_130, %dma_start3A_131, %dma_start3A_138] : memref<3x4x128xi32, #tpu.memory_space<vmem>> -> memref<1x1x128xi32, #tpu.memory_space<vmem>>
    %dma_start3A_140 = tpu.memref_squeeze %dma_start3A_139 : memref<1x1x128xi32, #tpu.memory_space<vmem>> -> memref<128xi32, #tpu.memory_space<vmem>>
    %dma_start3A_141 = arith.constant 0 : i32
    %dma_start3A_142 = arith.constant 0 : i32
    %dma_start3A_143 = tpu.memref_slice %arg2[%dma_start3A_141, %dma_start3A_142] : memref<49152x128xf32, #tpu.memory_space<hbm>> -> memref<49152x128xf32, #tpu.memory_space<hbm>>
    tpu.enqueue_indirect_dma source(%dma_start3A_143 : memref<49152x128xf32, #tpu.memory_space<hbm>>) target(%dma_start3A_137 : memref<128x128xf32, #tpu.memory_space<vmem>>) offsets(%dma_start3A_140 : memref<128xi32, #tpu.memory_space<vmem>>) semaphore(%arg8 : memref<!tpu.dma_semaphore, #tpu.memory_space<semaphore_mem>>)
    %dma_start3A_144 = arith.constant 1 : i32
    %dma_start3A_145 = arith.constant 2 : i32
    %dma_start3A_146 = arith.constant 0 : i32
    %dma_start3A_147 = arith.constant 1 : i32
    %dma_start3A_148 = arith.constant 0 : i32
    %dma_start3A_149 = arith.constant 0 : i32
    %dma_start3A_150 = tpu.memref_slice %arg6[%dma_start3A_146, %dma_start3A_147, %dma_start3A_148, %dma_start3A_149] : memref<2x3x128x128xf32, #tpu.memory_space<vmem>> -> memref<1x1x128x128xf32, #tpu.memory_space<vmem>>
    %dma_start3A_151 = tpu.memref_squeeze %dma_start3A_150 : memref<1x1x128x128xf32, #tpu.memory_space<vmem>> -> memref<128x128xf32, #tpu.memory_space<vmem>>
    %dma_start3A_152 = arith.constant 0 : i32
    %dma_start3A_153 = tpu.memref_slice %arg5[%dma_start3A_144, %dma_start3A_145, %dma_start3A_152] : memref<3x4x128xi32, #tpu.memory_space<vmem>> -> memref<1x1x128xi32, #tpu.memory_space<vmem>>
    %dma_start3A_154 = tpu.memref_squeeze %dma_start3A_153 : memref<1x1x128xi32, #tpu.memory_space<vmem>> -> memref<128xi32, #tpu.memory_space<vmem>>
    %dma_start3A_155 = arith.constant 0 : i32
    %dma_start3A_156 = arith.constant 0 : i32
    %dma_start3A_157 = tpu.memref_slice %arg2[%dma_start3A_155, %dma_start3A_156] : memref<49152x128xf32, #tpu.memory_space<hbm>> -> memref<49152x128xf32, #tpu.memory_space<hbm>>
    tpu.enqueue_indirect_dma source(%dma_start3A_157 : memref<49152x128xf32, #tpu.memory_space<hbm>>) target(%dma_start3A_151 : memref<128x128xf32, #tpu.memory_space<vmem>>) offsets(%dma_start3A_154 : memref<128xi32, #tpu.memory_space<vmem>>) semaphore(%arg8 : memref<!tpu.dma_semaphore, #tpu.memory_space<semaphore_mem>>)
    %dma_start3A_158 = arith.constant 2 : i32
    %dma_start3A_159 = arith.constant 2 : i32
    %dma_start3A_160 = arith.constant 0 : i32
    %dma_start3A_161 = arith.constant 2 : i32
    %dma_start3A_162 = arith.constant 0 : i32
    %dma_start3A_163 = arith.constant 0 : i32
    %dma_start3A_164 = tpu.memref_slice %arg6[%dma_start3A_160, %dma_start3A_161, %dma_start3A_162, %dma_start3A_163] : memref<2x3x128x128xf32, #tpu.memory_space<vmem>> -> memref<1x1x128x128xf32, #tpu.memory_space<vmem>>
    %dma_start3A_165 = tpu.memref_squeeze %dma_start3A_164 : memref<1x1x128x128xf32, #tpu.memory_space<vmem>> -> memref<128x128xf32, #tpu.memory_space<vmem>>
    %dma_start3A_166 = arith.constant 0 : i32
    %dma_start3A_167 = tpu.memref_slice %arg5[%dma_start3A_158, %dma_start3A_159, %dma_start3A_166] : memref<3x4x128xi32, #tpu.memory_space<vmem>> -> memref<1x1x128xi32, #tpu.memory_space<vmem>>
    %dma_start3A_168 = tpu.memref_squeeze %dma_start3A_167 : memref<1x1x128xi32, #tpu.memory_space<vmem>> -> memref<128xi32, #tpu.memory_space<vmem>>
    %dma_start3A_169 = arith.constant 0 : i32
    %dma_start3A_170 = arith.constant 0 : i32
    %dma_start3A_171 = tpu.memref_slice %arg2[%dma_start3A_169, %dma_start3A_170] : memref<49152x128xf32, #tpu.memory_space<hbm>> -> memref<49152x128xf32, #tpu.memory_space<hbm>>
    tpu.enqueue_indirect_dma source(%dma_start3A_171 : memref<49152x128xf32, #tpu.memory_space<hbm>>) target(%dma_start3A_165 : memref<128x128xf32, #tpu.memory_space<vmem>>) offsets(%dma_start3A_168 : memref<128xi32, #tpu.memory_space<vmem>>) semaphore(%arg8 : memref<!tpu.dma_semaphore, #tpu.memory_space<semaphore_mem>>)
    %dma_wait3A_172 = arith.constant 0 : i32
    %dma_wait3A_173 = arith.constant 1 : i32
    %dma_wait3A_174 = arith.constant 1 : i32
    %dma_wait3A_175 = arith.constant 0 : i32
    %dma_wait3A_176 = arith.constant 0 : i32
    %dma_wait3A_177 = arith.constant 0 : i32
    %dma_wait3A_178 = tpu.memref_slice %arg6[%dma_wait3A_174, %dma_wait3A_175, %dma_wait3A_176, %dma_wait3A_177] : memref<2x3x128x128xf32, #tpu.memory_space<vmem>> -> memref<1x1x128x128xf32, #tpu.memory_space<vmem>>
    %dma_wait3A_179 = tpu.memref_squeeze %dma_wait3A_178 : memref<1x1x128x128xf32, #tpu.memory_space<vmem>> -> memref<128x128xf32, #tpu.memory_space<vmem>>
    %dma_wait3A_180 = arith.constant 0 : i32
    %dma_wait3A_181 = tpu.memref_slice %arg5[%dma_wait3A_172, %dma_wait3A_173, %dma_wait3A_180] : memref<3x4x128xi32, #tpu.memory_space<vmem>> -> memref<1x1x128xi32, #tpu.memory_space<vmem>>
    %dma_wait3A_182 = tpu.memref_squeeze %dma_wait3A_181 : memref<1x1x128xi32, #tpu.memory_space<vmem>> -> memref<128xi32, #tpu.memory_space<vmem>>
    %dma_wait3A_183 = arith.constant 0 : i32
    %dma_wait3A_184 = arith.constant 0 : i32
    %dma_wait3A_185 = tpu.memref_slice %arg2[%dma_wait3A_183, %dma_wait3A_184] : memref<49152x128xf32, #tpu.memory_space<hbm>> -> memref<49152x128xf32, #tpu.memory_space<hbm>>
    tpu.wait_indirect_dma semaphore(%arg9 : memref<!tpu.dma_semaphore, #tpu.memory_space<semaphore_mem>>) src(%dma_wait3A_185 : memref<49152x128xf32, #tpu.memory_space<hbm>>) dst(%dma_wait3A_179 : memref<128x128xf32, #tpu.memory_space<vmem>>)
    %dma_wait3A_186 = arith.constant 1 : i32
    %dma_wait3A_187 = arith.constant 1 : i32
    %dma_wait3A_188 = arith.constant 1 : i32
    %dma_wait3A_189 = arith.constant 1 : i32
    %dma_wait3A_190 = arith.constant 0 : i32
    %dma_wait3A_191 = arith.constant 0 : i32
    %dma_wait3A_192 = tpu.memref_slice %arg6[%dma_wait3A_188, %dma_wait3A_189, %dma_wait3A_190, %dma_wait3A_191] : memref<2x3x128x128xf32, #tpu.memory_space<vmem>> -> memref<1x1x128x128xf32, #tpu.memory_space<vmem>>
    %dma_wait3A_193 = tpu.memref_squeeze %dma_wait3A_192 : memref<1x1x128x128xf32, #tpu.memory_space<vmem>> -> memref<128x128xf32, #tpu.memory_space<vmem>>
    %dma_wait3A_194 = arith.constant 0 : i32
    %dma_wait3A_195 = tpu.memref_slice %arg5[%dma_wait3A_186, %dma_wait3A_187, %dma_wait3A_194] : memref<3x4x128xi32, #tpu.memory_space<vmem>> -> memref<1x1x128xi32, #tpu.memory_space<vmem>>
    %dma_wait3A_196 = tpu.memref_squeeze %dma_wait3A_195 : memref<1x1x128xi32, #tpu.memory_space<vmem>> -> memref<128xi32, #tpu.memory_space<vmem>>
    %dma_wait3A_197 = arith.constant 0 : i32
    %dma_wait3A_198 = arith.constant 0 : i32
    %dma_wait3A_199 = tpu.memref_slice %arg2[%dma_wait3A_197, %dma_wait3A_198] : memref<49152x128xf32, #tpu.memory_space<hbm>> -> memref<49152x128xf32, #tpu.memory_space<hbm>>
    tpu.wait_indirect_dma semaphore(%arg9 : memref<!tpu.dma_semaphore, #tpu.memory_space<semaphore_mem>>) src(%dma_wait3A_199 : memref<49152x128xf32, #tpu.memory_space<hbm>>) dst(%dma_wait3A_193 : memref<128x128xf32, #tpu.memory_space<vmem>>)
    %dma_wait3A_200 = arith.constant 2 : i32
    %dma_wait3A_201 = arith.constant 1 : i32
    %dma_wait3A_202 = arith.constant 1 : i32
    %dma_wait3A_203 = arith.constant 2 : i32
    %dma_wait3A_204 = arith.constant 0 : i32
    %dma_wait3A_205 = arith.constant 0 : i32
    %dma_wait3A_206 = tpu.memref_slice %arg6[%dma_wait3A_202, %dma_wait3A_203, %dma_wait3A_204, %dma_wait3A_205] : memref<2x3x128x128xf32, #tpu.memory_space<vmem>> -> memref<1x1x128x128xf32, #tpu.memory_space<vmem>>
    %dma_wait3A_207 = tpu.memref_squeeze %dma_wait3A_206 : memref<1x1x128x128xf32, #tpu.memory_space<vmem>> -> memref<128x128xf32, #tpu.memory_space<vmem>>
    %dma_wait3A_208 = arith.constant 0 : i32
    %dma_wait3A_209 = tpu.memref_slice %arg5[%dma_wait3A_200, %dma_wait3A_201, %dma_wait3A_208] : memref<3x4x128xi32, #tpu.memory_space<vmem>> -> memref<1x1x128xi32, #tpu.memory_space<vmem>>
    %dma_wait3A_210 = tpu.memref_squeeze %dma_wait3A_209 : memref<1x1x128xi32, #tpu.memory_space<vmem>> -> memref<128xi32, #tpu.memory_space<vmem>>
    %dma_wait3A_211 = arith.constant 0 : i32
    %dma_wait3A_212 = arith.constant 0 : i32
    %dma_wait3A_213 = tpu.memref_slice %arg2[%dma_wait3A_211, %dma_wait3A_212] : memref<49152x128xf32, #tpu.memory_space<hbm>> -> memref<49152x128xf32, #tpu.memory_space<hbm>>
    tpu.wait_indirect_dma semaphore(%arg9 : memref<!tpu.dma_semaphore, #tpu.memory_space<semaphore_mem>>) src(%dma_wait3A_213 : memref<49152x128xf32, #tpu.memory_space<hbm>>) dst(%dma_wait3A_207 : memref<128x128xf32, #tpu.memory_space<vmem>>)
    %scan3A_214 = arith.constant 0 : i32
    %scan3A_215 = arith.constant 0 : i32
    %scan3A_216 = arith.constant 128 : i32
    %scan3A_217 = arith.addi %scan3A_215, %scan3A_216 : i32
    %scan3A_218 = arith.constant 1 : i32
    scf.for %scan3A_361 = %scan3A_215 to %scan3A_217 step %scan3A_218  : i32 {
      %get3A = arith.constant 1 : i32
      %get3A_362 = arith.constant 0 : i32
      %get3A_363 = arith.index_cast %get3A : i32 to index
      %get3A_364 = arith.index_cast %get3A_362 : i32 to index
      %get3A_365 = arith.index_cast %scan3A_361 : i32 to index
      %get3A_366 = arith.constant 0 : index
      %get3A_367 = tpu.vector_load %arg6[%get3A_363, %get3A_364, %get3A_365, %get3A_366] {strides = array<i32>} : memref<2x3x128x128xf32, #tpu.memory_space<vmem>>, vector<1x1x1x16xf32>,
      %get3A_368 = vector.shape_cast %get3A_367 : vector<1x1x1x16xf32> to vector<16xf32>
      %get3A_369 = arith.constant 1 : i32
      %get3A_370 = arith.constant 1 : i32
      %get3A_371 = arith.index_cast %get3A_369 : i32 to index
      %get3A_372 = arith.index_cast %get3A_370 : i32 to index
      %get3A_373 = arith.index_cast %scan3A_361 : i32 to index
      %get3A_374 = arith.constant 0 : index
      %get3A_375 = tpu.vector_load %arg6[%get3A_371, %get3A_372, %get3A_373, %get3A_374] {strides = array<i32>} : memref<2x3x128x128xf32, #tpu.memory_space<vmem>>, vector<1x1x1x16xf32>,
      %get3A_376 = vector.shape_cast %get3A_375 : vector<1x1x1x16xf32> to vector<16xf32>
      %add3A_377 = arith.addf %get3A_368, %get3A_376 : vector<16xf32>
      %get3A_378 = arith.constant 1 : i32
      %get3A_379 = arith.constant 2 : i32
      %get3A_380 = arith.index_cast %get3A_378 : i32 to index
      %get3A_381 = arith.index_cast %get3A_379 : i32 to index
      %get3A_382 = arith.index_cast %scan3A_361 : i32 to index
      %get3A_383 = arith.constant 0 : index
      %get3A_384 = tpu.vector_load %arg6[%get3A_380, %get3A_381, %get3A_382, %get3A_383] {strides = array<i32>} : memref<2x3x128x128xf32, #tpu.memory_space<vmem>>, vector<1x1x1x16xf32>,
      %get3A_385 = vector.shape_cast %get3A_384 : vector<1x1x1x16xf32> to vector<16xf32>
      %add3A_386 = arith.addf %add3A_377, %get3A_385 : vector<16xf32>
      %swap3A = arith.index_cast %scan3A_361 : i32 to index
      %swap3A_387 = arith.constant 0 : index
      %swap3A_388 = tpu.vector_load %arg7[%swap3A, %swap3A_387] {strides = array<i32>} : memref<128x64xf32, #tpu.memory_space<vmem>>, vector<1x16xf32>,
      %swap3A_389 = vector.shape_cast %swap3A_388 : vector<1x16xf32> to vector<16xf32>
      %swap3A_390 = vector.shape_cast %add3A_386 : vector<16xf32> to vector<1x16xf32>
      tpu.vector_store %arg7[%swap3A, %swap3A_387], %swap3A_390 {strides = array<i32>} : memref<128x64xf32, #tpu.memory_space<vmem>>, vector<1x16xf32>,
      %get3A_391 = arith.constant 1 : i32
      %get3A_392 = arith.constant 0 : i32
      %get3A_393 = arith.index_cast %get3A_391 : i32 to index
      %get3A_394 = arith.index_cast %get3A_392 : i32 to index
      %get3A_395 = arith.index_cast %scan3A_361 : i32 to index
      %get3A_396 = arith.constant 16 : index
      %get3A_397 = tpu.vector_load %arg6[%get3A_393, %get3A_394, %get3A_395, %get3A_396] {strides = array<i32>} : memref<2x3x128x128xf32, #tpu.memory_space<vmem>>, vector<1x1x1x16xf32>,
      %get3A_398 = vector.shape_cast %get3A_397 : vector<1x1x1x16xf32> to vector<16xf32>
      %get3A_399 = arith.constant 1 : i32
      %get3A_400 = arith.constant 1 : i32
      %get3A_401 = arith.index_cast %get3A_399 : i32 to index
      %get3A_402 = arith.index_cast %get3A_400 : i32 to index
      %get3A_403 = arith.index_cast %scan3A_361 : i32 to index
      %get3A_404 = arith.constant 16 : index
      %get3A_405 = tpu.vector_load %arg6[%get3A_401, %get3A_402, %get3A_403, %get3A_404] {strides = array<i32>} : memref<2x3x128x128xf32, #tpu.memory_space<vmem>>, vector<1x1x1x16xf32>,
      %get3A_406 = vector.shape_cast %get3A_405 : vector<1x1x1x16xf32> to vector<16xf32>
      %add3A_407 = arith.addf %get3A_398, %get3A_406 : vector<16xf32>
      %get3A_408 = arith.constant 1 : i32
      %get3A_409 = arith.constant 2 : i32
      %get3A_410 = arith.index_cast %get3A_408 : i32 to index
      %get3A_411 = arith.index_cast %get3A_409 : i32 to index
      %get3A_412 = arith.index_cast %scan3A_361 : i32 to index
      %get3A_413 = arith.constant 16 : index
      %get3A_414 = tpu.vector_load %arg6[%get3A_410, %get3A_411, %get3A_412, %get3A_413] {strides = array<i32>} : memref<2x3x128x128xf32, #tpu.memory_space<vmem>>, vector<1x1x1x16xf32>,
      %get3A_415 = vector.shape_cast %get3A_414 : vector<1x1x1x16xf32> to vector<16xf32>
      %add3A_416 = arith.addf %add3A_407, %get3A_415 : vector<16xf32>
      %swap3A_417 = arith.index_cast %scan3A_361 : i32 to index
      %swap3A_418 = arith.constant 16 : index
      %swap3A_419 = tpu.vector_load %arg7[%swap3A_417, %swap3A_418] {strides = array<i32>} : memref<128x64xf32, #tpu.memory_space<vmem>>, vector<1x16xf32>,
      %swap3A_420 = vector.shape_cast %swap3A_419 : vector<1x16xf32> to vector<16xf32>
      %swap3A_421 = vector.shape_cast %add3A_416 : vector<16xf32> to vector<1x16xf32>
      tpu.vector_store %arg7[%swap3A_417, %swap3A_418], %swap3A_421 {strides = array<i32>} : memref<128x64xf32, #tpu.memory_space<vmem>>, vector<1x16xf32>,
      %get3A_422 = arith.constant 1 : i32
      %get3A_423 = arith.constant 0 : i32
      %get3A_424 = arith.index_cast %get3A_422 : i32 to index
      %get3A_425 = arith.index_cast %get3A_423 : i32 to index
      %get3A_426 = arith.index_cast %scan3A_361 : i32 to index
      %get3A_427 = arith.constant 32 : index
      %get3A_428 = tpu.vector_load %arg6[%get3A_424, %get3A_425, %get3A_426, %get3A_427] {strides = array<i32>} : memref<2x3x128x128xf32, #tpu.memory_space<vmem>>, vector<1x1x1x16xf32>,
      %get3A_429 = vector.shape_cast %get3A_428 : vector<1x1x1x16xf32> to vector<16xf32>
      %get3A_430 = arith.constant 1 : i32
      %get3A_431 = arith.constant 1 : i32
      %get3A_432 = arith.index_cast %get3A_430 : i32 to index
      %get3A_433 = arith.index_cast %get3A_431 : i32 to index
      %get3A_434 = arith.index_cast %scan3A_361 : i32 to index
      %get3A_435 = arith.constant 32 : index
      %get3A_436 = tpu.vector_load %arg6[%get3A_432, %get3A_433, %get3A_434, %get3A_435] {strides = array<i32>} : memref<2x3x128x128xf32, #tpu.memory_space<vmem>>, vector<1x1x1x16xf32>,
      %get3A_437 = vector.shape_cast %get3A_436 : vector<1x1x1x16xf32> to vector<16xf32>
      %add3A_438 = arith.addf %get3A_429, %get3A_437 : vector<16xf32>
      %get3A_439 = arith.constant 1 : i32
      %get3A_440 = arith.constant 2 : i32
      %get3A_441 = arith.index_cast %get3A_439 : i32 to index
      %get3A_442 = arith.index_cast %get3A_440 : i32 to index
      %get3A_443 = arith.index_cast %scan3A_361 : i32 to index
      %get3A_444 = arith.constant 32 : index
      %get3A_445 = tpu.vector_load %arg6[%get3A_441, %get3A_442, %get3A_443, %get3A_444] {strides = array<i32>} : memref<2x3x128x128xf32, #tpu.memory_space<vmem>>, vector<1x1x1x16xf32>,
      %get3A_446 = vector.shape_cast %get3A_445 : vector<1x1x1x16xf32> to vector<16xf32>
      %add3A_447 = arith.addf %add3A_438, %get3A_446 : vector<16xf32>
      %swap3A_448 = arith.index_cast %scan3A_361 : i32 to index
      %swap3A_449 = arith.constant 32 : index
      %swap3A_450 = tpu.vector_load %arg7[%swap3A_448, %swap3A_449] {strides = array<i32>} : memref<128x64xf32, #tpu.memory_space<vmem>>, vector<1x16xf32>,
      %swap3A_451 = vector.shape_cast %swap3A_450 : vector<1x16xf32> to vector<16xf32>
      %swap3A_452 = vector.shape_cast %add3A_447 : vector<16xf32> to vector<1x16xf32>
      tpu.vector_store %arg7[%swap3A_448, %swap3A_449], %swap3A_452 {strides = array<i32>} : memref<128x64xf32, #tpu.memory_space<vmem>>, vector<1x16xf32>,
      %get3A_453 = arith.constant 1 : i32
      %get3A_454 = arith.constant 0 : i32
      %get3A_455 = arith.index_cast %get3A_453 : i32 to index
      %get3A_456 = arith.index_cast %get3A_454 : i32 to index
      %get3A_457 = arith.index_cast %scan3A_361 : i32 to index
      %get3A_458 = arith.constant 48 : index
      %get3A_459 = tpu.vector_load %arg6[%get3A_455, %get3A_456, %get3A_457, %get3A_458] {strides = array<i32>} : memref<2x3x128x128xf32, #tpu.memory_space<vmem>>, vector<1x1x1x16xf32>,
      %get3A_460 = vector.shape_cast %get3A_459 : vector<1x1x1x16xf32> to vector<16xf32>
      %get3A_461 = arith.constant 1 : i32
      %get3A_462 = arith.constant 1 : i32
      %get3A_463 = arith.index_cast %get3A_461 : i32 to index
      %get3A_464 = arith.index_cast %get3A_462 : i32 to index
      %get3A_465 = arith.index_cast %scan3A_361 : i32 to index
      %get3A_466 = arith.constant 48 : index
      %get3A_467 = tpu.vector_load %arg6[%get3A_463, %get3A_464, %get3A_465, %get3A_466] {strides = array<i32>} : memref<2x3x128x128xf32, #tpu.memory_space<vmem>>, vector<1x1x1x16xf32>,
      %get3A_468 = vector.shape_cast %get3A_467 : vector<1x1x1x16xf32> to vector<16xf32>
      %add3A_469 = arith.addf %get3A_460, %get3A_468 : vector<16xf32>
      %get3A_470 = arith.constant 1 : i32
      %get3A_471 = arith.constant 2 : i32
      %get3A_472 = arith.index_cast %get3A_470 : i32 to index
      %get3A_473 = arith.index_cast %get3A_471 : i32 to index
      %get3A_474 = arith.index_cast %scan3A_361 : i32 to index
      %get3A_475 = arith.constant 48 : index
      %get3A_476 = tpu.vector_load %arg6[%get3A_472, %get3A_473, %get3A_474, %get3A_475] {strides = array<i32>} : memref<2x3x128x128xf32, #tpu.memory_space<vmem>>, vector<1x1x1x16xf32>,
      %get3A_477 = vector.shape_cast %get3A_476 : vector<1x1x1x16xf32> to vector<16xf32>
      %add3A_478 = arith.addf %add3A_469, %get3A_477 : vector<16xf32>
      %swap3A_479 = arith.index_cast %scan3A_361 : i32 to index
      %swap3A_480 = arith.constant 48 : index
      %swap3A_481 = tpu.vector_load %arg7[%swap3A_479, %swap3A_480] {strides = array<i32>} : memref<128x64xf32, #tpu.memory_space<vmem>>, vector<1x16xf32>,
      %swap3A_482 = vector.shape_cast %swap3A_481 : vector<1x16xf32> to vector<16xf32>
      %swap3A_483 = vector.shape_cast %add3A_478 : vector<16xf32> to vector<1x16xf32>
      tpu.vector_store %arg7[%swap3A_479, %swap3A_480], %swap3A_483 {strides = array<i32>} : memref<128x64xf32, #tpu.memory_space<vmem>>, vector<1x16xf32>,
    }
    %scan3A_219 = arith.constant 128 : i32
    %run_scoped3A_220 = arith.constant 1 : i32
    "tpu.region"() ({
      %run_scoped3A_361 = tpu.sem_alloc : memref<!tpu.dma_semaphore, #tpu.memory_space<semaphore_mem>>
      %dma_start3A_362 = arith.constant 0 : i32
      %dma_start3A_363 = arith.constant 0 : i32
      %dma_start3A_364 = tpu.memref_slice %arg4[%add3A, %run_scoped3A_220, %dma_start3A_362, %dma_start3A_363] : memref<32x4x128x64xf32, #tpu.memory_space<hbm>> -> memref<1x1x128x64xf32, #tpu.memory_space<hbm>>
      %dma_start3A_365 = tpu.memref_squeeze %dma_start3A_364 : memref<1x1x128x64xf32, #tpu.memory_space<hbm>> -> memref<128x64xf32, #tpu.memory_space<hbm>>
      %dma_start3A_366 = arith.constant 0 : i32
      %dma_start3A_367 = arith.constant 0 : i32
      %dma_start3A_368 = tpu.memref_slice %arg4[%add3A, %run_scoped3A_220, %dma_start3A_366, %dma_start3A_367] : memref<32x4x128x64xf32, #tpu.memory_space<hbm>> -> memref<1x1x128x64xf32, #tpu.memory_space<hbm>>
      %dma_start3A_369 = tpu.memref_squeeze %dma_start3A_368 : memref<1x1x128x64xf32, #tpu.memory_space<hbm>> -> memref<128x64xf32, #tpu.memory_space<hbm>>
      tpu.enqueue_dma source(%arg7 : memref<128x64xf32, #tpu.memory_space<vmem>>) target(%dma_start3A_369 : memref<128x64xf32, #tpu.memory_space<hbm>>) target_semaphore(%run_scoped3A_361 : memref<!tpu.dma_semaphore, #tpu.memory_space<semaphore_mem>>)
      %dma_wait3A_370 = arith.constant 0 : i32
      %dma_wait3A_371 = arith.constant 0 : i32
      %dma_wait3A_372 = tpu.memref_slice %arg4[%add3A, %run_scoped3A_220, %dma_wait3A_370, %dma_wait3A_371] : memref<32x4x128x64xf32, #tpu.memory_space<hbm>> -> memref<1x1x128x64xf32, #tpu.memory_space<hbm>>
      %dma_wait3A_373 = tpu.memref_squeeze %dma_wait3A_372 : memref<1x1x128x64xf32, #tpu.memory_space<hbm>> -> memref<128x64xf32, #tpu.memory_space<hbm>>
      %dma_wait3A_374 = arith.constant 0 : i32
      %dma_wait3A_375 = arith.constant 0 : i32
      %dma_wait3A_376 = tpu.memref_slice %arg4[%add3A, %run_scoped3A_220, %dma_wait3A_374, %dma_wait3A_375] : memref<32x4x128x64xf32, #tpu.memory_space<hbm>> -> memref<1x1x128x64xf32, #tpu.memory_space<hbm>>
      %dma_wait3A_377 = tpu.memref_squeeze %dma_wait3A_376 : memref<1x1x128x64xf32, #tpu.memory_space<hbm>> -> memref<128x64xf32, #tpu.memory_space<hbm>>
      tpu.wait_dma2 semaphore(%run_scoped3A_361 : memref<!tpu.dma_semaphore, #tpu.memory_space<semaphore_mem>>) src(%arg7 : memref<128x64xf32, #tpu.memory_space<vmem>>) dst(%dma_wait3A_377 : memref<128x64xf32, #tpu.memory_space<hbm>>)
      tpu.yield
    }) : () -> ()
    %dma_start3A_221 = arith.constant 0 : i32
    %dma_start3A_222 = arith.constant 3 : i32
    %dma_start3A_223 = arith.constant 1 : i32
    %dma_start3A_224 = arith.constant 0 : i32
    %dma_start3A_225 = arith.constant 0 : i32
    %dma_start3A_226 = arith.constant 0 : i32
    %dma_start3A_227 = tpu.memref_slice %arg6[%dma_start3A_223, %dma_start3A_224, %dma_start3A_225, %dma_start3A_226] : memref<2x3x128x128xf32, #tpu.memory_space<vmem>> -> memref<1x1x128x128xf32, #tpu.memory_space<vmem>>
    %dma_start3A_228 = tpu.memref_squeeze %dma_start3A_227 : memref<1x1x128x128xf32, #tpu.memory_space<vmem>> -> memref<128x128xf32, #tpu.memory_space<vmem>>
    %dma_start3A_229 = arith.constant 0 : i32
    %dma_start3A_230 = tpu.memref_slice %arg5[%dma_start3A_221, %dma_start3A_222, %dma_start3A_229] : memref<3x4x128xi32, #tpu.memory_space<vmem>> -> memref<1x1x128xi32, #tpu.memory_space<vmem>>
    %dma_start3A_231 = tpu.memref_squeeze %dma_start3A_230 : memref<1x1x128xi32, #tpu.memory_space<vmem>> -> memref<128xi32, #tpu.memory_space<vmem>>
    %dma_start3A_232 = arith.constant 0 : i32
    %dma_start3A_233 = arith.constant 0 : i32
    %dma_start3A_234 = tpu.memref_slice %arg2[%dma_start3A_232, %dma_start3A_233] : memref<49152x128xf32, #tpu.memory_space<hbm>> -> memref<49152x128xf32, #tpu.memory_space<hbm>>
    tpu.enqueue_indirect_dma source(%dma_start3A_234 : memref<49152x128xf32, #tpu.memory_space<hbm>>) target(%dma_start3A_228 : memref<128x128xf32, #tpu.memory_space<vmem>>) offsets(%dma_start3A_231 : memref<128xi32, #tpu.memory_space<vmem>>) semaphore(%arg9 : memref<!tpu.dma_semaphore, #tpu.memory_space<semaphore_mem>>)
    %dma_start3A_235 = arith.constant 1 : i32
    %dma_start3A_236 = arith.constant 3 : i32
    %dma_start3A_237 = arith.constant 1 : i32
    %dma_start3A_238 = arith.constant 1 : i32
    %dma_start3A_239 = arith.constant 0 : i32
    %dma_start3A_240 = arith.constant 0 : i32
    %dma_start3A_241 = tpu.memref_slice %arg6[%dma_start3A_237, %dma_start3A_238, %dma_start3A_239, %dma_start3A_240] : memref<2x3x128x128xf32, #tpu.memory_space<vmem>> -> memref<1x1x128x128xf32, #tpu.memory_space<vmem>>
    %dma_start3A_242 = tpu.memref_squeeze %dma_start3A_241 : memref<1x1x128x128xf32, #tpu.memory_space<vmem>> -> memref<128x128xf32, #tpu.memory_space<vmem>>
    %dma_start3A_243 = arith.constant 0 : i32
    %dma_start3A_244 = tpu.memref_slice %arg5[%dma_start3A_235, %dma_start3A_236, %dma_start3A_243] : memref<3x4x128xi32, #tpu.memory_space<vmem>> -> memref<1x1x128xi32, #tpu.memory_space<vmem>>
    %dma_start3A_245 = tpu.memref_squeeze %dma_start3A_244 : memref<1x1x128xi32, #tpu.memory_space<vmem>> -> memref<128xi32, #tpu.memory_space<vmem>>
    %dma_start3A_246 = arith.constant 0 : i32
    %dma_start3A_247 = arith.constant 0 : i32
    %dma_start3A_248 = tpu.memref_slice %arg2[%dma_start3A_246, %dma_start3A_247] : memref<49152x128xf32, #tpu.memory_space<hbm>> -> memref<49152x128xf32, #tpu.memory_space<hbm>>
    tpu.enqueue_indirect_dma source(%dma_start3A_248 : memref<49152x128xf32, #tpu.memory_space<hbm>>) target(%dma_start3A_242 : memref<128x128xf32, #tpu.memory_space<vmem>>) offsets(%dma_start3A_245 : memref<128xi32, #tpu.memory_space<vmem>>) semaphore(%arg9 : memref<!tpu.dma_semaphore, #tpu.memory_space<semaphore_mem>>)
    %dma_start3A_249 = arith.constant 2 : i32
    %dma_start3A_250 = arith.constant 3 : i32
    %dma_start3A_251 = arith.constant 1 : i32
    %dma_start3A_252 = arith.constant 2 : i32
    %dma_start3A_253 = arith.constant 0 : i32
    %dma_start3A_254 = arith.constant 0 : i32
    %dma_start3A_255 = tpu.memref_slice %arg6[%dma_start3A_251, %dma_start3A_252, %dma_start3A_253, %dma_start3A_254] : memref<2x3x128x128xf32, #tpu.memory_space<vmem>> -> memref<1x1x128x128xf32, #tpu.memory_space<vmem>>
    %dma_start3A_256 = tpu.memref_squeeze %dma_start3A_255 : memref<1x1x128x128xf32, #tpu.memory_space<vmem>> -> memref<128x128xf32, #tpu.memory_space<vmem>>
    %dma_start3A_257 = arith.constant 0 : i32
    %dma_start3A_258 = tpu.memref_slice %arg5[%dma_start3A_249, %dma_start3A_250, %dma_start3A_257] : memref<3x4x128xi32, #tpu.memory_space<vmem>> -> memref<1x1x128xi32, #tpu.memory_space<vmem>>
    %dma_start3A_259 = tpu.memref_squeeze %dma_start3A_258 : memref<1x1x128xi32, #tpu.memory_space<vmem>> -> memref<128xi32, #tpu.memory_space<vmem>>
    %dma_start3A_260 = arith.constant 0 : i32
    %dma_start3A_261 = arith.constant 0 : i32
    %dma_start3A_262 = tpu.memref_slice %arg2[%dma_start3A_260, %dma_start3A_261] : memref<49152x128xf32, #tpu.memory_space<hbm>> -> memref<49152x128xf32, #tpu.memory_space<hbm>>
    tpu.enqueue_indirect_dma source(%dma_start3A_262 : memref<49152x128xf32, #tpu.memory_space<hbm>>) target(%dma_start3A_256 : memref<128x128xf32, #tpu.memory_space<vmem>>) offsets(%dma_start3A_259 : memref<128xi32, #tpu.memory_space<vmem>>) semaphore(%arg9 : memref<!tpu.dma_semaphore, #tpu.memory_space<semaphore_mem>>)
    %dma_wait3A_263 = arith.constant 0 : i32
    %dma_wait3A_264 = arith.constant 2 : i32
    %dma_wait3A_265 = arith.constant 0 : i32
    %dma_wait3A_266 = arith.constant 0 : i32
    %dma_wait3A_267 = arith.constant 0 : i32
    %dma_wait3A_268 = arith.constant 0 : i32
    %dma_wait3A_269 = tpu.memref_slice %arg6[%dma_wait3A_265, %dma_wait3A_266, %dma_wait3A_267, %dma_wait3A_268] : memref<2x3x128x128xf32, #tpu.memory_space<vmem>> -> memref<1x1x128x128xf32, #tpu.memory_space<vmem>>
    %dma_wait3A_270 = tpu.memref_squeeze %dma_wait3A_269 : memref<1x1x128x128xf32, #tpu.memory_space<vmem>> -> memref<128x128xf32, #tpu.memory_space<vmem>>
    %dma_wait3A_271 = arith.constant 0 : i32
    %dma_wait3A_272 = tpu.memref_slice %arg5[%dma_wait3A_263, %dma_wait3A_264, %dma_wait3A_271] : memref<3x4x128xi32, #tpu.memory_space<vmem>> -> memref<1x1x128xi32, #tpu.memory_space<vmem>>
    %dma_wait3A_273 = tpu.memref_squeeze %dma_wait3A_272 : memref<1x1x128xi32, #tpu.memory_space<vmem>> -> memref<128xi32, #tpu.memory_space<vmem>>
    %dma_wait3A_274 = arith.constant 0 : i32
    %dma_wait3A_275 = arith.constant 0 : i32
    %dma_wait3A_276 = tpu.memref_slice %arg2[%dma_wait3A_274, %dma_wait3A_275] : memref<49152x128xf32, #tpu.memory_space<hbm>> -> memref<49152x128xf32, #tpu.memory_space<hbm>>
    tpu.wait_indirect_dma semaphore(%arg8 : memref<!tpu.dma_semaphore, #tpu.memory_space<semaphore_mem>>) src(%dma_wait3A_276 : memref<49152x128xf32, #tpu.memory_space<hbm>>) dst(%dma_wait3A_270 : memref<128x128xf32, #tpu.memory_space<vmem>>)
    %dma_wait3A_277 = arith.constant 1 : i32
    %dma_wait3A_278 = arith.constant 2 : i32
    %dma_wait3A_279 = arith.constant 0 : i32
    %dma_wait3A_280 = arith.constant 1 : i32
    %dma_wait3A_281 = arith.constant 0 : i32
    %dma_wait3A_282 = arith.constant 0 : i32
    %dma_wait3A_283 = tpu.memref_slice %arg6[%dma_wait3A_279, %dma_wait3A_280, %dma_wait3A_281, %dma_wait3A_282] : memref<2x3x128x128xf32, #tpu.memory_space<vmem>> -> memref<1x1x128x128xf32, #tpu.memory_space<vmem>>
    %dma_wait3A_284 = tpu.memref_squeeze %dma_wait3A_283 : memref<1x1x128x128xf32, #tpu.memory_space<vmem>> -> memref<128x128xf32, #tpu.memory_space<vmem>>
    %dma_wait3A_285 = arith.constant 0 : i32
    %dma_wait3A_286 = tpu.memref_slice %arg5[%dma_wait3A_277, %dma_wait3A_278, %dma_wait3A_285] : memref<3x4x128xi32, #tpu.memory_space<vmem>> -> memref<1x1x128xi32, #tpu.memory_space<vmem>>
    %dma_wait3A_287 = tpu.memref_squeeze %dma_wait3A_286 : memref<1x1x128xi32, #tpu.memory_space<vmem>> -> memref<128xi32, #tpu.memory_space<vmem>>
    %dma_wait3A_288 = arith.constant 0 : i32
    %dma_wait3A_289 = arith.constant 0 : i32
    %dma_wait3A_290 = tpu.memref_slice %arg2[%dma_wait3A_288, %dma_wait3A_289] : memref<49152x128xf32, #tpu.memory_space<hbm>> -> memref<49152x128xf32, #tpu.memory_space<hbm>>
    tpu.wait_indirect_dma semaphore(%arg8 : memref<!tpu.dma_semaphore, #tpu.memory_space<semaphore_mem>>) src(%dma_wait3A_290 : memref<49152x128xf32, #tpu.memory_space<hbm>>) dst(%dma_wait3A_284 : memref<128x128xf32, #tpu.memory_space<vmem>>)
    %dma_wait3A_291 = arith.constant 2 : i32
    %dma_wait3A_292 = arith.constant 2 : i32
    %dma_wait3A_293 = arith.constant 0 : i32
    %dma_wait3A_294 = arith.constant 2 : i32
    %dma_wait3A_295 = arith.constant 0 : i32
    %dma_wait3A_296 = arith.constant 0 : i32
    %dma_wait3A_297 = tpu.memref_slice %arg6[%dma_wait3A_293, %dma_wait3A_294, %dma_wait3A_295, %dma_wait3A_296] : memref<2x3x128x128xf32, #tpu.memory_space<vmem>> -> memref<1x1x128x128xf32, #tpu.memory_space<vmem>>
    %dma_wait3A_298 = tpu.memref_squeeze %dma_wait3A_297 : memref<1x1x128x128xf32, #tpu.memory_space<vmem>> -> memref<128x128xf32, #tpu.memory_space<vmem>>
    %dma_wait3A_299 = arith.constant 0 : i32
    %dma_wait3A_300 = tpu.memref_slice %arg5[%dma_wait3A_291, %dma_wait3A_292, %dma_wait3A_299] : memref<3x4x128xi32, #tpu.memory_space<vmem>> -> memref<1x1x128xi32, #tpu.memory_space<vmem>>
    %dma_wait3A_301 = tpu.memref_squeeze %dma_wait3A_300 : memref<1x1x128xi32, #tpu.memory_space<vmem>> -> memref<128xi32, #tpu.memory_space<vmem>>
    %dma_wait3A_302 = arith.constant 0 : i32
    %dma_wait3A_303 = arith.constant 0 : i32
    %dma_wait3A_304 = tpu.memref_slice %arg2[%dma_wait3A_302, %dma_wait3A_303] : memref<49152x128xf32, #tpu.memory_space<hbm>> -> memref<49152x128xf32, #tpu.memory_space<hbm>>
    tpu.wait_indirect_dma semaphore(%arg8 : memref<!tpu.dma_semaphore, #tpu.memory_space<semaphore_mem>>) src(%dma_wait3A_304 : memref<49152x128xf32, #tpu.memory_space<hbm>>) dst(%dma_wait3A_298 : memref<128x128xf32, #tpu.memory_space<vmem>>)
    %scan3A_305 = arith.constant 0 : i32
    %scan3A_306 = arith.constant 0 : i32
    %scan3A_307 = arith.constant 128 : i32
    %scan3A_308 = arith.addi %scan3A_306, %scan3A_307 : i32
    %scan3A_309 = arith.constant 1 : i32
    scf.for %scan3A_361 = %scan3A_306 to %scan3A_308 step %scan3A_309  : i32 {
      %get3A = arith.constant 0 : i32
      %get3A_362 = arith.constant 0 : i32
      %get3A_363 = arith.index_cast %get3A : i32 to index
      %get3A_364 = arith.index_cast %get3A_362 : i32 to index
      %get3A_365 = arith.index_cast %scan3A_361 : i32 to index
      %get3A_366 = arith.constant 0 : index
      %get3A_367 = tpu.vector_load %arg6[%get3A_363, %get3A_364, %get3A_365, %get3A_366] {strides = array<i32>} : memref<2x3x128x128xf32, #tpu.memory_space<vmem>>, vector<1x1x1x16xf32>,
      %get3A_368 = vector.shape_cast %get3A_367 : vector<1x1x1x16xf32> to vector<16xf32>
      %get3A_369 = arith.constant 0 : i32
      %get3A_370 = arith.constant 1 : i32
      %get3A_371 = arith.index_cast %get3A_369 : i32 to index
      %get3A_372 = arith.index_cast %get3A_370 : i32 to index
      %get3A_373 = arith.index_cast %scan3A_361 : i32 to index
      %get3A_374 = arith.constant 0 : index
      %get3A_375 = tpu.vector_load %arg6[%get3A_371, %get3A_372, %get3A_373, %get3A_374] {strides = array<i32>} : memref<2x3x128x128xf32, #tpu.memory_space<vmem>>, vector<1x1x1x16xf32>,
      %get3A_376 = vector.shape_cast %get3A_375 : vector<1x1x1x16xf32> to vector<16xf32>
      %add3A_377 = arith.addf %get3A_368, %get3A_376 : vector<16xf32>
      %get3A_378 = arith.constant 0 : i32
      %get3A_379 = arith.constant 2 : i32
      %get3A_380 = arith.index_cast %get3A_378 : i32 to index
      %get3A_381 = arith.index_cast %get3A_379 : i32 to index
      %get3A_382 = arith.index_cast %scan3A_361 : i32 to index
      %get3A_383 = arith.constant 0 : index
      %get3A_384 = tpu.vector_load %arg6[%get3A_380, %get3A_381, %get3A_382, %get3A_383] {strides = array<i32>} : memref<2x3x128x128xf32, #tpu.memory_space<vmem>>, vector<1x1x1x16xf32>,
      %get3A_385 = vector.shape_cast %get3A_384 : vector<1x1x1x16xf32> to vector<16xf32>
      %add3A_386 = arith.addf %add3A_377, %get3A_385 : vector<16xf32>
      %swap3A = arith.index_cast %scan3A_361 : i32 to index
      %swap3A_387 = arith.constant 0 : index
      %swap3A_388 = tpu.vector_load %arg7[%swap3A, %swap3A_387] {strides = array<i32>} : memref<128x64xf32, #tpu.memory_space<vmem>>, vector<1x16xf32>,
      %swap3A_389 = vector.shape_cast %swap3A_388 : vector<1x16xf32> to vector<16xf32>
      %swap3A_390 = vector.shape_cast %add3A_386 : vector<16xf32> to vector<1x16xf32>
      tpu.vector_store %arg7[%swap3A, %swap3A_387], %swap3A_390 {strides = array<i32>} : memref<128x64xf32, #tpu.memory_space<vmem>>, vector<1x16xf32>,
      %get3A_391 = arith.constant 0 : i32
      %get3A_392 = arith.constant 0 : i32
      %get3A_393 = arith.index_cast %get3A_391 : i32 to index
      %get3A_394 = arith.index_cast %get3A_392 : i32 to index
      %get3A_395 = arith.index_cast %scan3A_361 : i32 to index
      %get3A_396 = arith.constant 16 : index
      %get3A_397 = tpu.vector_load %arg6[%get3A_393, %get3A_394, %get3A_395, %get3A_396] {strides = array<i32>} : memref<2x3x128x128xf32, #tpu.memory_space<vmem>>, vector<1x1x1x16xf32>,
      %get3A_398 = vector.shape_cast %get3A_397 : vector<1x1x1x16xf32> to vector<16xf32>
      %get3A_399 = arith.constant 0 : i32
      %get3A_400 = arith.constant 1 : i32
      %get3A_401 = arith.index_cast %get3A_399 : i32 to index
      %get3A_402 = arith.index_cast %get3A_400 : i32 to index
      %get3A_403 = arith.index_cast %scan3A_361 : i32 to index
      %get3A_404 = arith.constant 16 : index
      %get3A_405 = tpu.vector_load %arg6[%get3A_401, %get3A_402, %get3A_403, %get3A_404] {strides = array<i32>} : memref<2x3x128x128xf32, #tpu.memory_space<vmem>>, vector<1x1x1x16xf32>,
      %get3A_406 = vector.shape_cast %get3A_405 : vector<1x1x1x16xf32> to vector<16xf32>
      %add3A_407 = arith.addf %get3A_398, %get3A_406 : vector<16xf32>
      %get3A_408 = arith.constant 0 : i32
      %get3A_409 = arith.constant 2 : i32
      %get3A_410 = arith.index_cast %get3A_408 : i32 to index
      %get3A_411 = arith.index_cast %get3A_409 : i32 to index
      %get3A_412 = arith.index_cast %scan3A_361 : i32 to index
      %get3A_413 = arith.constant 16 : index
      %get3A_414 = tpu.vector_load %arg6[%get3A_410, %get3A_411, %get3A_412, %get3A_413] {strides = array<i32>} : memref<2x3x128x128xf32, #tpu.memory_space<vmem>>, vector<1x1x1x16xf32>,
      %get3A_415 = vector.shape_cast %get3A_414 : vector<1x1x1x16xf32> to vector<16xf32>
      %add3A_416 = arith.addf %add3A_407, %get3A_415 : vector<16xf32>
      %swap3A_417 = arith.index_cast %scan3A_361 : i32 to index
      %swap3A_418 = arith.constant 16 : index
      %swap3A_419 = tpu.vector_load %arg7[%swap3A_417, %swap3A_418] {strides = array<i32>} : memref<128x64xf32, #tpu.memory_space<vmem>>, vector<1x16xf32>,
      %swap3A_420 = vector.shape_cast %swap3A_419 : vector<1x16xf32> to vector<16xf32>
      %swap3A_421 = vector.shape_cast %add3A_416 : vector<16xf32> to vector<1x16xf32>
      tpu.vector_store %arg7[%swap3A_417, %swap3A_418], %swap3A_421 {strides = array<i32>} : memref<128x64xf32, #tpu.memory_space<vmem>>, vector<1x16xf32>,
      %get3A_422 = arith.constant 0 : i32
      %get3A_423 = arith.constant 0 : i32
      %get3A_424 = arith.index_cast %get3A_422 : i32 to index
      %get3A_425 = arith.index_cast %get3A_423 : i32 to index
      %get3A_426 = arith.index_cast %scan3A_361 : i32 to index
      %get3A_427 = arith.constant 32 : index
      %get3A_428 = tpu.vector_load %arg6[%get3A_424, %get3A_425, %get3A_426, %get3A_427] {strides = array<i32>} : memref<2x3x128x128xf32, #tpu.memory_space<vmem>>, vector<1x1x1x16xf32>,
      %get3A_429 = vector.shape_cast %get3A_428 : vector<1x1x1x16xf32> to vector<16xf32>
      %get3A_430 = arith.constant 0 : i32
      %get3A_431 = arith.constant 1 : i32
      %get3A_432 = arith.index_cast %get3A_430 : i32 to index
      %get3A_433 = arith.index_cast %get3A_431 : i32 to index
      %get3A_434 = arith.index_cast %scan3A_361 : i32 to index
      %get3A_435 = arith.constant 32 : index
      %get3A_436 = tpu.vector_load %arg6[%get3A_432, %get3A_433, %get3A_434, %get3A_435] {strides = array<i32>} : memref<2x3x128x128xf32, #tpu.memory_space<vmem>>, vector<1x1x1x16xf32>,
      %get3A_437 = vector.shape_cast %get3A_436 : vector<1x1x1x16xf32> to vector<16xf32>
      %add3A_438 = arith.addf %get3A_429, %get3A_437 : vector<16xf32>
      %get3A_439 = arith.constant 0 : i32
      %get3A_440 = arith.constant 2 : i32
      %get3A_441 = arith.index_cast %get3A_439 : i32 to index
      %get3A_442 = arith.index_cast %get3A_440 : i32 to index
      %get3A_443 = arith.index_cast %scan3A_361 : i32 to index
      %get3A_444 = arith.constant 32 : index
      %get3A_445 = tpu.vector_load %arg6[%get3A_441, %get3A_442, %get3A_443, %get3A_444] {strides = array<i32>} : memref<2x3x128x128xf32, #tpu.memory_space<vmem>>, vector<1x1x1x16xf32>,
      %get3A_446 = vector.shape_cast %get3A_445 : vector<1x1x1x16xf32> to vector<16xf32>
      %add3A_447 = arith.addf %add3A_438, %get3A_446 : vector<16xf32>
      %swap3A_448 = arith.index_cast %scan3A_361 : i32 to index
      %swap3A_449 = arith.constant 32 : index
      %swap3A_450 = tpu.vector_load %arg7[%swap3A_448, %swap3A_449] {strides = array<i32>} : memref<128x64xf32, #tpu.memory_space<vmem>>, vector<1x16xf32>,
      %swap3A_451 = vector.shape_cast %swap3A_450 : vector<1x16xf32> to vector<16xf32>
      %swap3A_452 = vector.shape_cast %add3A_447 : vector<16xf32> to vector<1x16xf32>
      tpu.vector_store %arg7[%swap3A_448, %swap3A_449], %swap3A_452 {strides = array<i32>} : memref<128x64xf32, #tpu.memory_space<vmem>>, vector<1x16xf32>,
      %get3A_453 = arith.constant 0 : i32
      %get3A_454 = arith.constant 0 : i32
      %get3A_455 = arith.index_cast %get3A_453 : i32 to index
      %get3A_456 = arith.index_cast %get3A_454 : i32 to index
      %get3A_457 = arith.index_cast %scan3A_361 : i32 to index
      %get3A_458 = arith.constant 48 : index
      %get3A_459 = tpu.vector_load %arg6[%get3A_455, %get3A_456, %get3A_457, %get3A_458] {strides = array<i32>} : memref<2x3x128x128xf32, #tpu.memory_space<vmem>>, vector<1x1x1x16xf32>,
      %get3A_460 = vector.shape_cast %get3A_459 : vector<1x1x1x16xf32> to vector<16xf32>
      %get3A_461 = arith.constant 0 : i32
      %get3A_462 = arith.constant 1 : i32
      %get3A_463 = arith.index_cast %get3A_461 : i32 to index
      %get3A_464 = arith.index_cast %get3A_462 : i32 to index
      %get3A_465 = arith.index_cast %scan3A_361 : i32 to index
      %get3A_466 = arith.constant 48 : index
      %get3A_467 = tpu.vector_load %arg6[%get3A_463, %get3A_464, %get3A_465, %get3A_466] {strides = array<i32>} : memref<2x3x128x128xf32, #tpu.memory_space<vmem>>, vector<1x1x1x16xf32>,
      %get3A_468 = vector.shape_cast %get3A_467 : vector<1x1x1x16xf32> to vector<16xf32>
      %add3A_469 = arith.addf %get3A_460, %get3A_468 : vector<16xf32>
      %get3A_470 = arith.constant 0 : i32
      %get3A_471 = arith.constant 2 : i32
      %get3A_472 = arith.index_cast %get3A_470 : i32 to index
      %get3A_473 = arith.index_cast %get3A_471 : i32 to index
      %get3A_474 = arith.index_cast %scan3A_361 : i32 to index
      %get3A_475 = arith.constant 48 : index
      %get3A_476 = tpu.vector_load %arg6[%get3A_472, %get3A_473, %get3A_474, %get3A_475] {strides = array<i32>} : memref<2x3x128x128xf32, #tpu.memory_space<vmem>>, vector<1x1x1x16xf32>,
      %get3A_477 = vector.shape_cast %get3A_476 : vector<1x1x1x16xf32> to vector<16xf32>
      %add3A_478 = arith.addf %add3A_469, %get3A_477 : vector<16xf32>
      %swap3A_479 = arith.index_cast %scan3A_361 : i32 to index
      %swap3A_480 = arith.constant 48 : index
      %swap3A_481 = tpu.vector_load %arg7[%swap3A_479, %swap3A_480] {strides = array<i32>} : memref<128x64xf32, #tpu.memory_space<vmem>>, vector<1x16xf32>,
      %swap3A_482 = vector.shape_cast %swap3A_481 : vector<1x16xf32> to vector<16xf32>
      %swap3A_483 = vector.shape_cast %add3A_478 : vector<16xf32> to vector<1x16xf32>
      tpu.vector_store %arg7[%swap3A_479, %swap3A_480], %swap3A_483 {strides = array<i32>} : memref<128x64xf32, #tpu.memory_space<vmem>>, vector<1x16xf32>,
    }
    %scan3A_310 = arith.constant 128 : i32
    %run_scoped3A_311 = arith.constant 2 : i32
    "tpu.region"() ({
      %run_scoped3A_361 = tpu.sem_alloc : memref<!tpu.dma_semaphore, #tpu.memory_space<semaphore_mem>>
      %dma_start3A_362 = arith.constant 0 : i32
      %dma_start3A_363 = arith.constant 0 : i32
      %dma_start3A_364 = tpu.memref_slice %arg4[%add3A, %run_scoped3A_311, %dma_start3A_362, %dma_start3A_363] : memref<32x4x128x64xf32, #tpu.memory_space<hbm>> -> memref<1x1x128x64xf32, #tpu.memory_space<hbm>>
      %dma_start3A_365 = tpu.memref_squeeze %dma_start3A_364 : memref<1x1x128x64xf32, #tpu.memory_space<hbm>> -> memref<128x64xf32, #tpu.memory_space<hbm>>
      %dma_start3A_366 = arith.constant 0 : i32
      %dma_start3A_367 = arith.constant 0 : i32
      %dma_start3A_368 = tpu.memref_slice %arg4[%add3A, %run_scoped3A_311, %dma_start3A_366, %dma_start3A_367] : memref<32x4x128x64xf32, #tpu.memory_space<hbm>> -> memref<1x1x128x64xf32, #tpu.memory_space<hbm>>
      %dma_start3A_369 = tpu.memref_squeeze %dma_start3A_368 : memref<1x1x128x64xf32, #tpu.memory_space<hbm>> -> memref<128x64xf32, #tpu.memory_space<hbm>>
      tpu.enqueue_dma source(%arg7 : memref<128x64xf32, #tpu.memory_space<vmem>>) target(%dma_start3A_369 : memref<128x64xf32, #tpu.memory_space<hbm>>) target_semaphore(%run_scoped3A_361 : memref<!tpu.dma_semaphore, #tpu.memory_space<semaphore_mem>>)
      %dma_wait3A_370 = arith.constant 0 : i32
      %dma_wait3A_371 = arith.constant 0 : i32
      %dma_wait3A_372 = tpu.memref_slice %arg4[%add3A, %run_scoped3A_311, %dma_wait3A_370, %dma_wait3A_371] : memref<32x4x128x64xf32, #tpu.memory_space<hbm>> -> memref<1x1x128x64xf32, #tpu.memory_space<hbm>>
      %dma_wait3A_373 = tpu.memref_squeeze %dma_wait3A_372 : memref<1x1x128x64xf32, #tpu.memory_space<hbm>> -> memref<128x64xf32, #tpu.memory_space<hbm>>
      %dma_wait3A_374 = arith.constant 0 : i32
      %dma_wait3A_375 = arith.constant 0 : i32
      %dma_wait3A_376 = tpu.memref_slice %arg4[%add3A, %run_scoped3A_311, %dma_wait3A_374, %dma_wait3A_375] : memref<32x4x128x64xf32, #tpu.memory_space<hbm>> -> memref<1x1x128x64xf32, #tpu.memory_space<hbm>>
      %dma_wait3A_377 = tpu.memref_squeeze %dma_wait3A_376 : memref<1x1x128x64xf32, #tpu.memory_space<hbm>> -> memref<128x64xf32, #tpu.memory_space<hbm>>
      tpu.wait_dma2 semaphore(%run_scoped3A_361 : memref<!tpu.dma_semaphore, #tpu.memory_space<semaphore_mem>>) src(%arg7 : memref<128x64xf32, #tpu.memory_space<vmem>>) dst(%dma_wait3A_377 : memref<128x64xf32, #tpu.memory_space<hbm>>)
      tpu.yield
    }) : () -> ()
    %dma_wait3A_312 = arith.constant 0 : i32
    %dma_wait3A_313 = arith.constant 3 : i32
    %dma_wait3A_314 = arith.constant 1 : i32
    %dma_wait3A_315 = arith.constant 0 : i32
    %dma_wait3A_316 = arith.constant 0 : i32
    %dma_wait3A_317 = arith.constant 0 : i32
    %dma_wait3A_318 = tpu.memref_slice %arg6[%dma_wait3A_314, %dma_wait3A_315, %dma_wait3A_316, %dma_wait3A_317] : memref<2x3x128x128xf32, #tpu.memory_space<vmem>> -> memref<1x1x128x128xf32, #tpu.memory_space<vmem>>
    %dma_wait3A_319 = tpu.memref_squeeze %dma_wait3A_318 : memref<1x1x128x128xf32, #tpu.memory_space<vmem>> -> memref<128x128xf32, #tpu.memory_space<vmem>>
    %dma_wait3A_320 = arith.constant 0 : i32
    %dma_wait3A_321 = tpu.memref_slice %arg5[%dma_wait3A_312, %dma_wait3A_313, %dma_wait3A_320] : memref<3x4x128xi32, #tpu.memory_space<vmem>> -> memref<1x1x128xi32, #tpu.memory_space<vmem>>
    %dma_wait3A_322 = tpu.memref_squeeze %dma_wait3A_321 : memref<1x1x128xi32, #tpu.memory_space<vmem>> -> memref<128xi32, #tpu.memory_space<vmem>>
    %dma_wait3A_323 = arith.constant 0 : i32
    %dma_wait3A_324 = arith.constant 0 : i32
    %dma_wait3A_325 = tpu.memref_slice %arg2[%dma_wait3A_323, %dma_wait3A_324] : memref<49152x128xf32, #tpu.memory_space<hbm>> -> memref<49152x128xf32, #tpu.memory_space<hbm>>
    tpu.wait_indirect_dma semaphore(%arg9 : memref<!tpu.dma_semaphore, #tpu.memory_space<semaphore_mem>>) src(%dma_wait3A_325 : memref<49152x128xf32, #tpu.memory_space<hbm>>) dst(%dma_wait3A_319 : memref<128x128xf32, #tpu.memory_space<vmem>>)
    %dma_wait3A_326 = arith.constant 1 : i32
    %dma_wait3A_327 = arith.constant 3 : i32
    %dma_wait3A_328 = arith.constant 1 : i32
    %dma_wait3A_329 = arith.constant 1 : i32
    %dma_wait3A_330 = arith.constant 0 : i32
    %dma_wait3A_331 = arith.constant 0 : i32
    %dma_wait3A_332 = tpu.memref_slice %arg6[%dma_wait3A_328, %dma_wait3A_329, %dma_wait3A_330, %dma_wait3A_331] : memref<2x3x128x128xf32, #tpu.memory_space<vmem>> -> memref<1x1x128x128xf32, #tpu.memory_space<vmem>>
    %dma_wait3A_333 = tpu.memref_squeeze %dma_wait3A_332 : memref<1x1x128x128xf32, #tpu.memory_space<vmem>> -> memref<128x128xf32, #tpu.memory_space<vmem>>
    %dma_wait3A_334 = arith.constant 0 : i32
    %dma_wait3A_335 = tpu.memref_slice %arg5[%dma_wait3A_326, %dma_wait3A_327, %dma_wait3A_334] : memref<3x4x128xi32, #tpu.memory_space<vmem>> -> memref<1x1x128xi32, #tpu.memory_space<vmem>>
    %dma_wait3A_336 = tpu.memref_squeeze %dma_wait3A_335 : memref<1x1x128xi32, #tpu.memory_space<vmem>> -> memref<128xi32, #tpu.memory_space<vmem>>
    %dma_wait3A_337 = arith.constant 0 : i32
    %dma_wait3A_338 = arith.constant 0 : i32
    %dma_wait3A_339 = tpu.memref_slice %arg2[%dma_wait3A_337, %dma_wait3A_338] : memref<49152x128xf32, #tpu.memory_space<hbm>> -> memref<49152x128xf32, #tpu.memory_space<hbm>>
    tpu.wait_indirect_dma semaphore(%arg9 : memref<!tpu.dma_semaphore, #tpu.memory_space<semaphore_mem>>) src(%dma_wait3A_339 : memref<49152x128xf32, #tpu.memory_space<hbm>>) dst(%dma_wait3A_333 : memref<128x128xf32, #tpu.memory_space<vmem>>)
    %dma_wait3A_340 = arith.constant 2 : i32
    %dma_wait3A_341 = arith.constant 3 : i32
    %dma_wait3A_342 = arith.constant 1 : i32
    %dma_wait3A_343 = arith.constant 2 : i32
    %dma_wait3A_344 = arith.constant 0 : i32
    %dma_wait3A_345 = arith.constant 0 : i32
    %dma_wait3A_346 = tpu.memref_slice %arg6[%dma_wait3A_342, %dma_wait3A_343, %dma_wait3A_344, %dma_wait3A_345] : memref<2x3x128x128xf32, #tpu.memory_space<vmem>> -> memref<1x1x128x128xf32, #tpu.memory_space<vmem>>
    %dma_wait3A_347 = tpu.memref_squeeze %dma_wait3A_346 : memref<1x1x128x128xf32, #tpu.memory_space<vmem>> -> memref<128x128xf32, #tpu.memory_space<vmem>>
    %dma_wait3A_348 = arith.constant 0 : i32
    %dma_wait3A_349 = tpu.memref_slice %arg5[%dma_wait3A_340, %dma_wait3A_341, %dma_wait3A_348] : memref<3x4x128xi32, #tpu.memory_space<vmem>> -> memref<1x1x128xi32, #tpu.memory_space<vmem>>
    %dma_wait3A_350 = tpu.memref_squeeze %dma_wait3A_349 : memref<1x1x128xi32, #tpu.memory_space<vmem>> -> memref<128xi32, #tpu.memory_space<vmem>>
    %dma_wait3A_351 = arith.constant 0 : i32
    %dma_wait3A_352 = arith.constant 0 : i32
    %dma_wait3A_353 = tpu.memref_slice %arg2[%dma_wait3A_351, %dma_wait3A_352] : memref<49152x128xf32, #tpu.memory_space<hbm>> -> memref<49152x128xf32, #tpu.memory_space<hbm>>
    tpu.wait_indirect_dma semaphore(%arg9 : memref<!tpu.dma_semaphore, #tpu.memory_space<semaphore_mem>>) src(%dma_wait3A_353 : memref<49152x128xf32, #tpu.memory_space<hbm>>) dst(%dma_wait3A_347 : memref<128x128xf32, #tpu.memory_space<vmem>>)
    %scan3A_354 = arith.constant 0 : i32
    %scan3A_355 = arith.constant 0 : i32
    %scan3A_356 = arith.constant 128 : i32
    %scan3A_357 = arith.addi %scan3A_355, %scan3A_356 : i32
    %scan3A_358 = arith.constant 1 : i32
    scf.for %scan3A_361 = %scan3A_355 to %scan3A_357 step %scan3A_358  : i32 {
      %get3A = arith.constant 1 : i32
      %get3A_362 = arith.constant 0 : i32
      %get3A_363 = arith.index_cast %get3A : i32 to index
      %get3A_364 = arith.index_cast %get3A_362 : i32 to index
      %get3A_365 = arith.index_cast %scan3A_361 : i32 to index
      %get3A_366 = arith.constant 0 : index
      %get3A_367 = tpu.vector_load %arg6[%get3A_363, %get3A_364, %get3A_365, %get3A_366] {strides = array<i32>} : memref<2x3x128x128xf32, #tpu.memory_space<vmem>>, vector<1x1x1x16xf32>,
      %get3A_368 = vector.shape_cast %get3A_367 : vector<1x1x1x16xf32> to vector<16xf32>
      %get3A_369 = arith.constant 1 : i32
      %get3A_370 = arith.constant 1 : i32
      %get3A_371 = arith.index_cast %get3A_369 : i32 to index
      %get3A_372 = arith.index_cast %get3A_370 : i32 to index
      %get3A_373 = arith.index_cast %scan3A_361 : i32 to index
      %get3A_374 = arith.constant 0 : index
      %get3A_375 = tpu.vector_load %arg6[%get3A_371, %get3A_372, %get3A_373, %get3A_374] {strides = array<i32>} : memref<2x3x128x128xf32, #tpu.memory_space<vmem>>, vector<1x1x1x16xf32>,
      %get3A_376 = vector.shape_cast %get3A_375 : vector<1x1x1x16xf32> to vector<16xf32>
      %add3A_377 = arith.addf %get3A_368, %get3A_376 : vector<16xf32>
      %get3A_378 = arith.constant 1 : i32
      %get3A_379 = arith.constant 2 : i32
      %get3A_380 = arith.index_cast %get3A_378 : i32 to index
      %get3A_381 = arith.index_cast %get3A_379 : i32 to index
      %get3A_382 = arith.index_cast %scan3A_361 : i32 to index
      %get3A_383 = arith.constant 0 : index
      %get3A_384 = tpu.vector_load %arg6[%get3A_380, %get3A_381, %get3A_382, %get3A_383] {strides = array<i32>} : memref<2x3x128x128xf32, #tpu.memory_space<vmem>>, vector<1x1x1x16xf32>,
      %get3A_385 = vector.shape_cast %get3A_384 : vector<1x1x1x16xf32> to vector<16xf32>
      %add3A_386 = arith.addf %add3A_377, %get3A_385 : vector<16xf32>
      %swap3A = arith.index_cast %scan3A_361 : i32 to index
      %swap3A_387 = arith.constant 0 : index
      %swap3A_388 = tpu.vector_load %arg7[%swap3A, %swap3A_387] {strides = array<i32>} : memref<128x64xf32, #tpu.memory_space<vmem>>, vector<1x16xf32>,
      %swap3A_389 = vector.shape_cast %swap3A_388 : vector<1x16xf32> to vector<16xf32>
      %swap3A_390 = vector.shape_cast %add3A_386 : vector<16xf32> to vector<1x16xf32>
      tpu.vector_store %arg7[%swap3A, %swap3A_387], %swap3A_390 {strides = array<i32>} : memref<128x64xf32, #tpu.memory_space<vmem>>, vector<1x16xf32>,
      %get3A_391 = arith.constant 1 : i32
      %get3A_392 = arith.constant 0 : i32
      %get3A_393 = arith.index_cast %get3A_391 : i32 to index
      %get3A_394 = arith.index_cast %get3A_392 : i32 to index
      %get3A_395 = arith.index_cast %scan3A_361 : i32 to index
      %get3A_396 = arith.constant 16 : index
      %get3A_397 = tpu.vector_load %arg6[%get3A_393, %get3A_394, %get3A_395, %get3A_396] {strides = array<i32>} : memref<2x3x128x128xf32, #tpu.memory_space<vmem>>, vector<1x1x1x16xf32>,
      %get3A_398 = vector.shape_cast %get3A_397 : vector<1x1x1x16xf32> to vector<16xf32>
      %get3A_399 = arith.constant 1 : i32
      %get3A_400 = arith.constant 1 : i32
      %get3A_401 = arith.index_cast %get3A_399 : i32 to index
      %get3A_402 = arith.index_cast %get3A_400 : i32 to index
      %get3A_403 = arith.index_cast %scan3A_361 : i32 to index
      %get3A_404 = arith.constant 16 : index
      %get3A_405 = tpu.vector_load %arg6[%get3A_401, %get3A_402, %get3A_403, %get3A_404] {strides = array<i32>} : memref<2x3x128x128xf32, #tpu.memory_space<vmem>>, vector<1x1x1x16xf32>,
      %get3A_406 = vector.shape_cast %get3A_405 : vector<1x1x1x16xf32> to vector<16xf32>
      %add3A_407 = arith.addf %get3A_398, %get3A_406 : vector<16xf32>
      %get3A_408 = arith.constant 1 : i32
      %get3A_409 = arith.constant 2 : i32
      %get3A_410 = arith.index_cast %get3A_408 : i32 to index
      %get3A_411 = arith.index_cast %get3A_409 : i32 to index
      %get3A_412 = arith.index_cast %scan3A_361 : i32 to index
      %get3A_413 = arith.constant 16 : index
      %get3A_414 = tpu.vector_load %arg6[%get3A_410, %get3A_411, %get3A_412, %get3A_413] {strides = array<i32>} : memref<2x3x128x128xf32, #tpu.memory_space<vmem>>, vector<1x1x1x16xf32>,
      %get3A_415 = vector.shape_cast %get3A_414 : vector<1x1x1x16xf32> to vector<16xf32>
      %add3A_416 = arith.addf %add3A_407, %get3A_415 : vector<16xf32>
      %swap3A_417 = arith.index_cast %scan3A_361 : i32 to index
      %swap3A_418 = arith.constant 16 : index
      %swap3A_419 = tpu.vector_load %arg7[%swap3A_417, %swap3A_418] {strides = array<i32>} : memref<128x64xf32, #tpu.memory_space<vmem>>, vector<1x16xf32>,
      %swap3A_420 = vector.shape_cast %swap3A_419 : vector<1x16xf32> to vector<16xf32>
      %swap3A_421 = vector.shape_cast %add3A_416 : vector<16xf32> to vector<1x16xf32>
      tpu.vector_store %arg7[%swap3A_417, %swap3A_418], %swap3A_421 {strides = array<i32>} : memref<128x64xf32, #tpu.memory_space<vmem>>, vector<1x16xf32>,
      %get3A_422 = arith.constant 1 : i32
      %get3A_423 = arith.constant 0 : i32
      %get3A_424 = arith.index_cast %get3A_422 : i32 to index
      %get3A_425 = arith.index_cast %get3A_423 : i32 to index
      %get3A_426 = arith.index_cast %scan3A_361 : i32 to index
      %get3A_427 = arith.constant 32 : index
      %get3A_428 = tpu.vector_load %arg6[%get3A_424, %get3A_425, %get3A_426, %get3A_427] {strides = array<i32>} : memref<2x3x128x128xf32, #tpu.memory_space<vmem>>, vector<1x1x1x16xf32>,
      %get3A_429 = vector.shape_cast %get3A_428 : vector<1x1x1x16xf32> to vector<16xf32>
      %get3A_430 = arith.constant 1 : i32
      %get3A_431 = arith.constant 1 : i32
      %get3A_432 = arith.index_cast %get3A_430 : i32 to index
      %get3A_433 = arith.index_cast %get3A_431 : i32 to index
      %get3A_434 = arith.index_cast %scan3A_361 : i32 to index
      %get3A_435 = arith.constant 32 : index
      %get3A_436 = tpu.vector_load %arg6[%get3A_432, %get3A_433, %get3A_434, %get3A_435] {strides = array<i32>} : memref<2x3x128x128xf32, #tpu.memory_space<vmem>>, vector<1x1x1x16xf32>,
      %get3A_437 = vector.shape_cast %get3A_436 : vector<1x1x1x16xf32> to vector<16xf32>
      %add3A_438 = arith.addf %get3A_429, %get3A_437 : vector<16xf32>
      %get3A_439 = arith.constant 1 : i32
      %get3A_440 = arith.constant 2 : i32
      %get3A_441 = arith.index_cast %get3A_439 : i32 to index
      %get3A_442 = arith.index_cast %get3A_440 : i32 to index
      %get3A_443 = arith.index_cast %scan3A_361 : i32 to index
      %get3A_444 = arith.constant 32 : index
      %get3A_445 = tpu.vector_load %arg6[%get3A_441, %get3A_442, %get3A_443, %get3A_444] {strides = array<i32>} : memref<2x3x128x128xf32, #tpu.memory_space<vmem>>, vector<1x1x1x16xf32>,
      %get3A_446 = vector.shape_cast %get3A_445 : vector<1x1x1x16xf32> to vector<16xf32>
      %add3A_447 = arith.addf %add3A_438, %get3A_446 : vector<16xf32>
      %swap3A_448 = arith.index_cast %scan3A_361 : i32 to index
      %swap3A_449 = arith.constant 32 : index
      %swap3A_450 = tpu.vector_load %arg7[%swap3A_448, %swap3A_449] {strides = array<i32>} : memref<128x64xf32, #tpu.memory_space<vmem>>, vector<1x16xf32>,
      %swap3A_451 = vector.shape_cast %swap3A_450 : vector<1x16xf32> to vector<16xf32>
      %swap3A_452 = vector.shape_cast %add3A_447 : vector<16xf32> to vector<1x16xf32>
      tpu.vector_store %arg7[%swap3A_448, %swap3A_449], %swap3A_452 {strides = array<i32>} : memref<128x64xf32, #tpu.memory_space<vmem>>, vector<1x16xf32>,
      %get3A_453 = arith.constant 1 : i32
      %get3A_454 = arith.constant 0 : i32
      %get3A_455 = arith.index_cast %get3A_453 : i32 to index
      %get3A_456 = arith.index_cast %get3A_454 : i32 to index
      %get3A_457 = arith.index_cast %scan3A_361 : i32 to index
      %get3A_458 = arith.constant 48 : index
      %get3A_459 = tpu.vector_load %arg6[%get3A_455, %get3A_456, %get3A_457, %get3A_458] {strides = array<i32>} : memref<2x3x128x128xf32, #tpu.memory_space<vmem>>, vector<1x1x1x16xf32>,
      %get3A_460 = vector.shape_cast %get3A_459 : vector<1x1x1x16xf32> to vector<16xf32>
      %get3A_461 = arith.constant 1 : i32
      %get3A_462 = arith.constant 1 : i32
      %get3A_463 = arith.index_cast %get3A_461 : i32 to index
      %get3A_464 = arith.index_cast %get3A_462 : i32 to index
      %get3A_465 = arith.index_cast %scan3A_361 : i32 to index
      %get3A_466 = arith.constant 48 : index
      %get3A_467 = tpu.vector_load %arg6[%get3A_463, %get3A_464, %get3A_465, %get3A_466] {strides = array<i32>} : memref<2x3x128x128xf32, #tpu.memory_space<vmem>>, vector<1x1x1x16xf32>,
      %get3A_468 = vector.shape_cast %get3A_467 : vector<1x1x1x16xf32> to vector<16xf32>
      %add3A_469 = arith.addf %get3A_460, %get3A_468 : vector<16xf32>
      %get3A_470 = arith.constant 1 : i32
      %get3A_471 = arith.constant 2 : i32
      %get3A_472 = arith.index_cast %get3A_470 : i32 to index
      %get3A_473 = arith.index_cast %get3A_471 : i32 to index
      %get3A_474 = arith.index_cast %scan3A_361 : i32 to index
      %get3A_475 = arith.constant 48 : index
      %get3A_476 = tpu.vector_load %arg6[%get3A_472, %get3A_473, %get3A_474, %get3A_475] {strides = array<i32>} : memref<2x3x128x128xf32, #tpu.memory_space<vmem>>, vector<1x1x1x16xf32>,
      %get3A_477 = vector.shape_cast %get3A_476 : vector<1x1x1x16xf32> to vector<16xf32>
      %add3A_478 = arith.addf %add3A_469, %get3A_477 : vector<16xf32>
      %swap3A_479 = arith.index_cast %scan3A_361 : i32 to index
      %swap3A_480 = arith.constant 48 : index
      %swap3A_481 = tpu.vector_load %arg7[%swap3A_479, %swap3A_480] {strides = array<i32>} : memref<128x64xf32, #tpu.memory_space<vmem>>, vector<1x16xf32>,
      %swap3A_482 = vector.shape_cast %swap3A_481 : vector<1x16xf32> to vector<16xf32>
      %swap3A_483 = vector.shape_cast %add3A_478 : vector<16xf32> to vector<1x16xf32>
      tpu.vector_store %arg7[%swap3A_479, %swap3A_480], %swap3A_483 {strides = array<i32>} : memref<128x64xf32, #tpu.memory_space<vmem>>, vector<1x16xf32>,
    }
    %scan3A_359 = arith.constant 128 : i32
    %run_scoped3A_360 = arith.constant 3 : i32
    "tpu.region"() ({
      %run_scoped3A_361 = tpu.sem_alloc : memref<!tpu.dma_semaphore, #tpu.memory_space<semaphore_mem>>
      %dma_start3A_362 = arith.constant 0 : i32
      %dma_start3A_363 = arith.constant 0 : i32
      %dma_start3A_364 = tpu.memref_slice %arg4[%add3A, %run_scoped3A_360, %dma_start3A_362, %dma_start3A_363] : memref<32x4x128x64xf32, #tpu.memory_space<hbm>> -> memref<1x1x128x64xf32, #tpu.memory_space<hbm>>
      %dma_start3A_365 = tpu.memref_squeeze %dma_start3A_364 : memref<1x1x128x64xf32, #tpu.memory_space<hbm>> -> memref<128x64xf32, #tpu.memory_space<hbm>>
      %dma_start3A_366 = arith.constant 0 : i32
      %dma_start3A_367 = arith.constant 0 : i32
      %dma_start3A_368 = tpu.memref_slice %arg4[%add3A, %run_scoped3A_360, %dma_start3A_366, %dma_start3A_367] : memref<32x4x128x64xf32, #tpu.memory_space<hbm>> -> memref<1x1x128x64xf32, #tpu.memory_space<hbm>>
      %dma_start3A_369 = tpu.memref_squeeze %dma_start3A_368 : memref<1x1x128x64xf32, #tpu.memory_space<hbm>> -> memref<128x64xf32, #tpu.memory_space<hbm>>
      tpu.enqueue_dma source(%arg7 : memref<128x64xf32, #tpu.memory_space<vmem>>) target(%dma_start3A_369 : memref<128x64xf32, #tpu.memory_space<hbm>>) target_semaphore(%run_scoped3A_361 : memref<!tpu.dma_semaphore, #tpu.memory_space<semaphore_mem>>)
      %dma_wait3A_370 = arith.constant 0 : i32
      %dma_wait3A_371 = arith.constant 0 : i32
      %dma_wait3A_372 = tpu.memref_slice %arg4[%add3A, %run_scoped3A_360, %dma_wait3A_370, %dma_wait3A_371] : memref<32x4x128x64xf32, #tpu.memory_space<hbm>> -> memref<1x1x128x64xf32, #tpu.memory_space<hbm>>
      %dma_wait3A_373 = tpu.memref_squeeze %dma_wait3A_372 : memref<1x1x128x64xf32, #tpu.memory_space<hbm>> -> memref<128x64xf32, #tpu.memory_space<hbm>>
      %dma_wait3A_374 = arith.constant 0 : i32
      %dma_wait3A_375 = arith.constant 0 : i32
      %dma_wait3A_376 = tpu.memref_slice %arg4[%add3A, %run_scoped3A_360, %dma_wait3A_374, %dma_wait3A_375] : memref<32x4x128x64xf32, #tpu.memory_space<hbm>> -> memref<1x1x128x64xf32, #tpu.memory_space<hbm>>
      %dma_wait3A_377 = tpu.memref_squeeze %dma_wait3A_376 : memref<1x1x128x64xf32, #tpu.memory_space<hbm>> -> memref<128x64xf32, #tpu.memory_space<hbm>>
      tpu.wait_dma2 semaphore(%run_scoped3A_361 : memref<!tpu.dma_semaphore, #tpu.memory_space<semaphore_mem>>) src(%arg7 : memref<128x64xf32, #tpu.memory_space<vmem>>) dst(%dma_wait3A_377 : memref<128x64xf32, #tpu.memory_space<hbm>>)
      tpu.yield
    }) : () -> ()
    return
  }
}

module attributes {stable_mosaic.version = 14 : i64} {
  func.func @_dist_topk_body(%arg0: i32, %arg1: i32, %arg2: memref<1x64x2048xf32, #tpu.memory_space<vmem>>, %arg3: memref<3x64x64xf32, #tpu.memory_space<vmem>>, %arg4: memref<1x64xf32, #tpu.memory_space<vmem>>, %arg5: memref<3x1x2048x128xf32, #tpu.memory_space<vmem>>, %arg6: memref<3x4x4x128xi32, #tpu.memory_space<vmem>>, %arg7: memref<2048x2048xf32, #tpu.memory_space<vmem>>) attributes {dimension_semantics = [#tpu.dimension_semantics<arbitrary>, #tpu.dimension_semantics<arbitrary>], iteration_bounds = array<i64: 8, 1>, scalar_prefetch = 0 : i64, scratch_operands = 1 : i64, tpu.core_type = #tpu.core_type<tc>, window_params = [{transform_indices = @transform_0, window_bounds = array<i64: 1, 64, 2048>}, {pipeline_mode = #tpu.pipeline_mode<synchronous>, transform_indices = @transform_1, window_bounds = array<i64: 3, 64, 64>}, {pipeline_mode = #tpu.pipeline_mode<synchronous>, transform_indices = @transform_2, window_bounds = array<i64: 1, 64>}, {transform_indices = @transform_3, window_bounds = array<i64: 3, 1, 2048, 128>}, {transform_indices = @transform_4, window_bounds = array<i64: 3, 4, 4, 128>}]} {
    %get3A = arith.constant 0 : index
    %get3A_0 = arith.constant 0 : index
    %get3A_1 = arith.constant 0 : index
    %get3A_2 = vector.load %arg2[%get3A, %get3A_0, %get3A_1] : memref<1x64x2048xf32, #tpu.memory_space<vmem>>, vector<1x64x2048xf32>
    %get3A_3 = vector.shape_cast %get3A_2 : vector<1x64x2048xf32> to vector<64x2048xf32>
    %mul3A = arith.constant 2048 : i32
    %mul3A_4 = arith.muli %arg1, %mul3A : i32
    %get3A_5 = arith.constant 0 : index
    %get3A_6 = arith.constant 0 : index
    %get3A_7 = arith.index_cast %mul3A_4 : i32 to index
    %get3A_8 = vector.load %arg2[%get3A_5, %get3A_6, %get3A_7] : memref<1x64x2048xf32, #tpu.memory_space<vmem>>, vector<1x64x2048xf32>
    %get3A_9 = vector.shape_cast %get3A_8 : vector<1x64x2048xf32> to vector<64x2048xf32>
    %transpose3A = tpu.transpose %get3A_9, [1, 0] : vector<64x2048xf32> -> vector<2048x64xf32>
    %iota3A = tpu.iota {dimensions = array<i32: 1>} : vector<2048x2048xi32>
    %iota3A_10 = tpu.iota {dimensions = array<i32: 0>} : vector<2048x2048xi32>
    %mul3A_11 = arith.constant 2048 : i32
    %mul3A_12 = arith.muli %arg1, %mul3A_11 : i32
    %add3A = vector.broadcast %mul3A_12 : i32 to vector<2048x2048xi32>
    %add3A_13 = arith.addi %iota3A_10, %add3A : vector<2048x2048xi32>
    %eq3A = arith.cmpi eq, %iota3A, %add3A_13 : vector<2048x2048xi32>
    %convert_element_type3A = arith.sitofp %iota3A : vector<2048x2048xi32> to vector<2048x2048xf32>
    %mul3A_14 = arith.mulf %get3A_3, %get3A_3 : vector<64x2048xf32>
    %reduce_sum3A = arith.constant dense<0.000000e+00> : vector<2048xf32>
    %reduce_sum3A_15 = vector.multi_reduction <add>, %mul3A_14, %reduce_sum3A [0] : vector<64x2048xf32> to vector<2048xf32>
    %broadcast_in_dim3A = vector.shape_cast %reduce_sum3A_15 : vector<2048xf32> to vector<1x2048xf32>
    %mul3A_16 = arith.mulf %get3A_9, %get3A_9 : vector<64x2048xf32>
    %reduce_sum3A_17 = arith.constant dense<0.000000e+00> : vector<2048xf32>
    %reduce_sum3A_18 = vector.multi_reduction <add>, %mul3A_16, %reduce_sum3A_17 [0] : vector<64x2048xf32> to vector<2048xf32>
    %broadcast_in_dim3A_19 = vector.shape_cast %reduce_sum3A_18 : vector<2048xf32> to vector<1x2048xf32>
    %transpose3A_20 = tpu.transpose %broadcast_in_dim3A_19, [1, 0] : vector<1x2048xf32> -> vector<2048x1xf32>
    %dot_general3A = arith.constant dense<0.000000e+00> : vector<2048x2048xf32>
    %dot_general3A_21 = tpu.matmul %transpose3A, %get3A_3, %dot_general3A {dimension_numbers = #tpu.dot_dimension_numbers<[1], [0], [0], [1], [0, 0, 1, 1], [], []>, transpose_lhs_hint = false} : vector<2048x64xf32>, vector<64x2048xf32>, vector<2048x2048xf32> -> vector<2048x2048xf32>
    %add3A_22 = vector.broadcast %broadcast_in_dim3A : vector<1x2048xf32> to vector<2048x2048xf32>
    %add3A_23 = vector.broadcast %transpose3A_20 : vector<2048x1xf32> to vector<2048x2048xf32>
    %add3A_24 = arith.addf %add3A_22, %add3A_23 : vector<2048x2048xf32>
    %mul3A_25 = arith.constant 2.000000e+00 : f32
    %mul3A_26 = vector.broadcast %mul3A_25 : f32 to vector<2048x2048xf32>
    %mul3A_27 = arith.mulf %mul3A_26, %dot_general3A_21 : vector<2048x2048xf32>
    %sub3A = arith.subf %add3A_24, %mul3A_27 : vector<2048x2048xf32>
    %jit3A = arith.constant 0.000000e+00 : f32
    %broadcast_in_dim3A_28 = vector.broadcast %jit3A : f32 to vector<2048x2048xf32>
    %select_n3A = arith.select %eq3A, %sub3A, %broadcast_in_dim3A_28 : vector<2048x2048xi1>, vector<2048x2048xf32>
    %reduce_sum3A_29 = arith.constant dense<0.000000e+00> : vector<2048xf32>
    %reduce_sum3A_30 = vector.multi_reduction <add>, %select_n3A, %reduce_sum3A_29 [1] : vector<2048x2048xf32> to vector<2048xf32>
    %broadcast_in_dim3A_31 = vector.shape_cast %reduce_sum3A_30 : vector<2048xf32> to vector<2048x1xf32>
    %lt3A = arith.constant 0.000000e+00 : f32
    %lt3A_32 = vector.broadcast %lt3A : f32 to vector<2048x1xf32>
    %lt3A_33 = arith.cmpf olt, %broadcast_in_dim3A_31, %lt3A_32 : vector<2048x1xf32>
    %and3A = vector.broadcast %lt3A_33 : vector<2048x1xi1> to vector<2048x2048xi1>
    %and3A_34 = arith.andi %eq3A, %and3A : vector<2048x2048xi1>
    %jit3A_35 = arith.constant 0x7F800000 : f32
    %broadcast_in_dim3A_36 = vector.broadcast %jit3A_35 : f32 to vector<2048x2048xf32>
    %select_n3A_37 = arith.select %and3A_34, %broadcast_in_dim3A_36, %sub3A : vector<2048x2048xi1>, vector<2048x2048xf32>
    %swap3A = arith.constant 0 : index
    %swap3A_38 = arith.constant 0 : index
    %swap3A_39 = vector.load %arg7[%swap3A, %swap3A_38] : memref<2048x2048xf32, #tpu.memory_space<vmem>>, vector<2048x2048xf32>
    tpu.vector_store %arg7[%swap3A, %swap3A_38], %select_n3A_37 {strides = array<i32>} : memref<2048x2048xf32, #tpu.memory_space<vmem>>, vector<2048x2048xf32>,
    %get3A_40 = arith.constant 0 : index
    %get3A_41 = arith.constant 0 : index
    %get3A_42 = vector.load %arg7[%get3A_40, %get3A_41] : memref<2048x2048xf32, #tpu.memory_space<vmem>>, vector<2048x2048xf32>
    %reduce_min3A = arith.constant dense<0x7F800000> : vector<2048xf32>
    %reduce_min3A_43 = vector.multi_reduction <minimumf>, %get3A_42, %reduce_min3A [1] : vector<2048x2048xf32> to vector<2048xf32>
    %broadcast_in_dim3A_44 = vector.shape_cast %reduce_min3A_43 : vector<2048xf32> to vector<2048x1xf32>
    %eq3A_45 = vector.broadcast %broadcast_in_dim3A_44 : vector<2048x1xf32> to vector<2048x2048xf32>
    %eq3A_46 = arith.cmpf oeq, %get3A_42, %eq3A_45 : vector<2048x2048xf32>
    %jit3A_47 = arith.constant 2.048000e+03 : f32
    %broadcast_in_dim3A_48 = vector.broadcast %jit3A_47 : f32 to vector<2048x2048xf32>
    %select_n3A_49 = arith.select %eq3A_46, %convert_element_type3A, %broadcast_in_dim3A_48 : vector<2048x2048xi1>, vector<2048x2048xf32>
    %reduce_min3A_50 = arith.constant dense<0x7F800000> : vector<2048xf32>
    %reduce_min3A_51 = vector.multi_reduction <minimumf>, %select_n3A_49, %reduce_min3A_50 [1] : vector<2048x2048xf32> to vector<2048xf32>
    %broadcast_in_dim3A_52 = vector.shape_cast %reduce_min3A_51 : vector<2048xf32> to vector<2048x1xf32>
    %eq3A_53 = vector.broadcast %broadcast_in_dim3A_52 : vector<2048x1xf32> to vector<2048x2048xf32>
    %eq3A_54 = arith.cmpf oeq, %convert_element_type3A, %eq3A_53 : vector<2048x2048xf32>
    %jit3A_55 = arith.constant 0x7F800000 : f32
    %broadcast_in_dim3A_56 = vector.broadcast %jit3A_55 : f32 to vector<2048x2048xf32>
    %select_n3A_57 = arith.select %eq3A_54, %broadcast_in_dim3A_56, %get3A_42 : vector<2048x2048xi1>, vector<2048x2048xf32>
    %swap3A_58 = arith.constant 0 : index
    %swap3A_59 = arith.constant 0 : index
    %swap3A_60 = vector.load %arg7[%swap3A_58, %swap3A_59] : memref<2048x2048xf32, #tpu.memory_space<vmem>>, vector<2048x2048xf32>
    tpu.vector_store %arg7[%swap3A_58, %swap3A_59], %select_n3A_57 {strides = array<i32>} : memref<2048x2048xf32, #tpu.memory_space<vmem>>, vector<2048x2048xf32>,
    %get3A_61 = arith.constant 0 : index
    %get3A_62 = arith.constant 0 : index
    %get3A_63 = vector.load %arg7[%get3A_61, %get3A_62] : memref<2048x2048xf32, #tpu.memory_space<vmem>>, vector<2048x2048xf32>
    %reduce_min3A_64 = arith.constant dense<0x7F800000> : vector<2048xf32>
    %reduce_min3A_65 = vector.multi_reduction <minimumf>, %get3A_63, %reduce_min3A_64 [1] : vector<2048x2048xf32> to vector<2048xf32>
    %broadcast_in_dim3A_66 = vector.shape_cast %reduce_min3A_65 : vector<2048xf32> to vector<2048x1xf32>
    %eq3A_67 = vector.broadcast %broadcast_in_dim3A_66 : vector<2048x1xf32> to vector<2048x2048xf32>
    %eq3A_68 = arith.cmpf oeq, %get3A_63, %eq3A_67 : vector<2048x2048xf32>
    %jit3A_69 = arith.constant 2.048000e+03 : f32
    %broadcast_in_dim3A_70 = vector.broadcast %jit3A_69 : f32 to vector<2048x2048xf32>
    %select_n3A_71 = arith.select %eq3A_68, %convert_element_type3A, %broadcast_in_dim3A_70 : vector<2048x2048xi1>, vector<2048x2048xf32>
    %reduce_min3A_72 = arith.constant dense<0x7F800000> : vector<2048xf32>
    %reduce_min3A_73 = vector.multi_reduction <minimumf>, %select_n3A_71, %reduce_min3A_72 [1] : vector<2048x2048xf32> to vector<2048xf32>
    %broadcast_in_dim3A_74 = vector.shape_cast %reduce_min3A_73 : vector<2048xf32> to vector<2048x1xf32>
    %eq3A_75 = vector.broadcast %broadcast_in_dim3A_74 : vector<2048x1xf32> to vector<2048x2048xf32>
    %eq3A_76 = arith.cmpf oeq, %convert_element_type3A, %eq3A_75 : vector<2048x2048xf32>
    %jit3A_77 = arith.constant 0x7F800000 : f32
    %broadcast_in_dim3A_78 = vector.broadcast %jit3A_77 : f32 to vector<2048x2048xf32>
    %select_n3A_79 = arith.select %eq3A_76, %broadcast_in_dim3A_78, %get3A_63 : vector<2048x2048xi1>, vector<2048x2048xf32>
    %swap3A_80 = arith.constant 0 : index
    %swap3A_81 = arith.constant 0 : index
    %swap3A_82 = vector.load %arg7[%swap3A_80, %swap3A_81] : memref<2048x2048xf32, #tpu.memory_space<vmem>>, vector<2048x2048xf32>
    tpu.vector_store %arg7[%swap3A_80, %swap3A_81], %select_n3A_79 {strides = array<i32>} : memref<2048x2048xf32, #tpu.memory_space<vmem>>, vector<2048x2048xf32>,
    %get3A_83 = arith.constant 0 : index
    %get3A_84 = arith.constant 0 : index
    %get3A_85 = vector.load %arg7[%get3A_83, %get3A_84] : memref<2048x2048xf32, #tpu.memory_space<vmem>>, vector<2048x2048xf32>
    %reduce_min3A_86 = arith.constant dense<0x7F800000> : vector<2048xf32>
    %reduce_min3A_87 = vector.multi_reduction <minimumf>, %get3A_85, %reduce_min3A_86 [1] : vector<2048x2048xf32> to vector<2048xf32>
    %broadcast_in_dim3A_88 = vector.shape_cast %reduce_min3A_87 : vector<2048xf32> to vector<2048x1xf32>
    %eq3A_89 = vector.broadcast %broadcast_in_dim3A_88 : vector<2048x1xf32> to vector<2048x2048xf32>
    %eq3A_90 = arith.cmpf oeq, %get3A_85, %eq3A_89 : vector<2048x2048xf32>
    %jit3A_91 = arith.constant 2.048000e+03 : f32
    %broadcast_in_dim3A_92 = vector.broadcast %jit3A_91 : f32 to vector<2048x2048xf32>
    %select_n3A_93 = arith.select %eq3A_90, %convert_element_type3A, %broadcast_in_dim3A_92 : vector<2048x2048xi1>, vector<2048x2048xf32>
    %reduce_min3A_94 = arith.constant dense<0x7F800000> : vector<2048xf32>
    %reduce_min3A_95 = vector.multi_reduction <minimumf>, %select_n3A_93, %reduce_min3A_94 [1] : vector<2048x2048xf32> to vector<2048xf32>
    %broadcast_in_dim3A_96 = vector.shape_cast %reduce_min3A_95 : vector<2048xf32> to vector<2048x1xf32>
    %eq3A_97 = vector.broadcast %broadcast_in_dim3A_96 : vector<2048x1xf32> to vector<2048x2048xf32>
    %eq3A_98 = arith.cmpf oeq, %convert_element_type3A, %eq3A_97 : vector<2048x2048xf32>
    %jit3A_99 = arith.constant 0x7F800000 : f32
    %broadcast_in_dim3A_100 = vector.broadcast %jit3A_99 : f32 to vector<2048x2048xf32>
    %select_n3A_101 = arith.select %eq3A_98, %broadcast_in_dim3A_100, %get3A_85 : vector<2048x2048xi1>, vector<2048x2048xf32>
    %swap3A_102 = arith.constant 0 : index
    %swap3A_103 = arith.constant 0 : index
    %swap3A_104 = vector.load %arg7[%swap3A_102, %swap3A_103] : memref<2048x2048xf32, #tpu.memory_space<vmem>>, vector<2048x2048xf32>
    tpu.vector_store %arg7[%swap3A_102, %swap3A_103], %select_n3A_101 {strides = array<i32>} : memref<2048x2048xf32, #tpu.memory_space<vmem>>, vector<2048x2048xf32>,
    %get3A_105 = arith.constant 0 : index
    %get3A_106 = arith.constant 0 : index
    %get3A_107 = vector.load %arg7[%get3A_105, %get3A_106] : memref<2048x2048xf32, #tpu.memory_space<vmem>>, vector<2048x2048xf32>
    %reduce_min3A_108 = arith.constant dense<0x7F800000> : vector<2048xf32>
    %reduce_min3A_109 = vector.multi_reduction <minimumf>, %get3A_107, %reduce_min3A_108 [1] : vector<2048x2048xf32> to vector<2048xf32>
    %broadcast_in_dim3A_110 = vector.shape_cast %reduce_min3A_109 : vector<2048xf32> to vector<2048x1xf32>
    %eq3A_111 = vector.broadcast %broadcast_in_dim3A_110 : vector<2048x1xf32> to vector<2048x2048xf32>
    %eq3A_112 = arith.cmpf oeq, %get3A_107, %eq3A_111 : vector<2048x2048xf32>
    %jit3A_113 = arith.constant 2.048000e+03 : f32
    %broadcast_in_dim3A_114 = vector.broadcast %jit3A_113 : f32 to vector<2048x2048xf32>
    %select_n3A_115 = arith.select %eq3A_112, %convert_element_type3A, %broadcast_in_dim3A_114 : vector<2048x2048xi1>, vector<2048x2048xf32>
    %reduce_min3A_116 = arith.constant dense<0x7F800000> : vector<2048xf32>
    %reduce_min3A_117 = vector.multi_reduction <minimumf>, %select_n3A_115, %reduce_min3A_116 [1] : vector<2048x2048xf32> to vector<2048xf32>
    %broadcast_in_dim3A_118 = vector.shape_cast %reduce_min3A_117 : vector<2048xf32> to vector<2048x1xf32>
    %sqrt3A = math.sqrt %broadcast_in_dim3A_44 : vector<2048x1xf32>
    %sqrt3A_119 = math.sqrt %broadcast_in_dim3A_66 : vector<2048x1xf32>
    %sqrt3A_120 = math.sqrt %broadcast_in_dim3A_88 : vector<2048x1xf32>
    %sqrt3A_121 = math.sqrt %broadcast_in_dim3A_110 : vector<2048x1xf32>
    %lt3A_122 = arith.cmpf olt, %sqrt3A_121, %sqrt3A_120 : vector<2048x1xf32>
    %eq3A_123 = arith.cmpf oeq, %sqrt3A_121, %sqrt3A_120 : vector<2048x1xf32>
    %lt3A_124 = arith.cmpf olt, %broadcast_in_dim3A_118, %broadcast_in_dim3A_96 : vector<2048x1xf32>
    %and3A_125 = arith.andi %eq3A_123, %lt3A_124 : vector<2048x1xi1>
    %or3A = arith.ori %lt3A_122, %and3A_125 : vector<2048x1xi1>
    %select_n3A_126 = arith.select %or3A, %sqrt3A_121, %sqrt3A_120 : vector<2048x1xi1>, vector<2048x1xf32>
    %select_n3A_127 = arith.select %or3A, %sqrt3A_120, %sqrt3A_121 : vector<2048x1xi1>, vector<2048x1xf32>
    %select_n3A_128 = arith.select %or3A, %broadcast_in_dim3A_118, %broadcast_in_dim3A_96 : vector<2048x1xi1>, vector<2048x1xf32>
    %select_n3A_129 = arith.select %or3A, %broadcast_in_dim3A_96, %broadcast_in_dim3A_118 : vector<2048x1xi1>, vector<2048x1xf32>
    %lt3A_130 = arith.cmpf olt, %select_n3A_126, %sqrt3A_119 : vector<2048x1xf32>
    %eq3A_131 = arith.cmpf oeq, %select_n3A_126, %sqrt3A_119 : vector<2048x1xf32>
    %lt3A_132 = arith.cmpf olt, %select_n3A_128, %broadcast_in_dim3A_74 : vector<2048x1xf32>
    %and3A_133 = arith.andi %eq3A_131, %lt3A_132 : vector<2048x1xi1>
    %or3A_134 = arith.ori %lt3A_130, %and3A_133 : vector<2048x1xi1>
    %select_n3A_135 = arith.select %or3A_134, %select_n3A_126, %sqrt3A_119 : vector<2048x1xi1>, vector<2048x1xf32>
    %select_n3A_136 = arith.select %or3A_134, %sqrt3A_119, %select_n3A_126 : vector<2048x1xi1>, vector<2048x1xf32>
    %select_n3A_137 = arith.select %or3A_134, %select_n3A_128, %broadcast_in_dim3A_74 : vector<2048x1xi1>, vector<2048x1xf32>
    %select_n3A_138 = arith.select %or3A_134, %broadcast_in_dim3A_74, %select_n3A_128 : vector<2048x1xi1>, vector<2048x1xf32>
    %lt3A_139 = arith.cmpf olt, %select_n3A_135, %sqrt3A : vector<2048x1xf32>
    %eq3A_140 = arith.cmpf oeq, %select_n3A_135, %sqrt3A : vector<2048x1xf32>
    %lt3A_141 = arith.cmpf olt, %select_n3A_137, %broadcast_in_dim3A_52 : vector<2048x1xf32>
    %and3A_142 = arith.andi %eq3A_140, %lt3A_141 : vector<2048x1xi1>
    %or3A_143 = arith.ori %lt3A_139, %and3A_142 : vector<2048x1xi1>
    %select_n3A_144 = arith.select %or3A_143, %sqrt3A, %select_n3A_135 : vector<2048x1xi1>, vector<2048x1xf32>
    %select_n3A_145 = arith.select %or3A_143, %select_n3A_137, %broadcast_in_dim3A_52 : vector<2048x1xi1>, vector<2048x1xf32>
    %select_n3A_146 = arith.select %or3A_143, %broadcast_in_dim3A_52, %select_n3A_137 : vector<2048x1xi1>, vector<2048x1xf32>
    %lt3A_147 = arith.cmpf olt, %select_n3A_127, %select_n3A_136 : vector<2048x1xf32>
    %eq3A_148 = arith.cmpf oeq, %select_n3A_127, %select_n3A_136 : vector<2048x1xf32>
    %lt3A_149 = arith.cmpf olt, %select_n3A_129, %select_n3A_138 : vector<2048x1xf32>
    %and3A_150 = arith.andi %eq3A_148, %lt3A_149 : vector<2048x1xi1>
    %or3A_151 = arith.ori %lt3A_147, %and3A_150 : vector<2048x1xi1>
    %select_n3A_152 = arith.select %or3A_151, %select_n3A_127, %select_n3A_136 : vector<2048x1xi1>, vector<2048x1xf32>
    %select_n3A_153 = arith.select %or3A_151, %select_n3A_136, %select_n3A_127 : vector<2048x1xi1>, vector<2048x1xf32>
    %select_n3A_154 = arith.select %or3A_151, %select_n3A_129, %select_n3A_138 : vector<2048x1xi1>, vector<2048x1xf32>
    %select_n3A_155 = arith.select %or3A_151, %select_n3A_138, %select_n3A_129 : vector<2048x1xi1>, vector<2048x1xf32>
    %lt3A_156 = arith.cmpf olt, %select_n3A_152, %select_n3A_144 : vector<2048x1xf32>
    %eq3A_157 = arith.cmpf oeq, %select_n3A_152, %select_n3A_144 : vector<2048x1xf32>
    %lt3A_158 = arith.cmpf olt, %select_n3A_154, %select_n3A_146 : vector<2048x1xf32>
    %and3A_159 = arith.andi %eq3A_157, %lt3A_158 : vector<2048x1xi1>
    %or3A_160 = arith.ori %lt3A_156, %and3A_159 : vector<2048x1xi1>
    %select_n3A_161 = arith.select %or3A_160, %select_n3A_144, %select_n3A_152 : vector<2048x1xi1>, vector<2048x1xf32>
    %select_n3A_162 = arith.select %or3A_160, %select_n3A_154, %select_n3A_146 : vector<2048x1xi1>, vector<2048x1xf32>
    %select_n3A_163 = arith.select %or3A_160, %select_n3A_146, %select_n3A_154 : vector<2048x1xi1>, vector<2048x1xf32>
    %lt3A_164 = arith.cmpf olt, %select_n3A_153, %select_n3A_161 : vector<2048x1xf32>
    %eq3A_165 = arith.cmpf oeq, %select_n3A_153, %select_n3A_161 : vector<2048x1xf32>
    %lt3A_166 = arith.cmpf olt, %select_n3A_155, %select_n3A_163 : vector<2048x1xf32>
    %and3A_167 = arith.andi %eq3A_165, %lt3A_166 : vector<2048x1xi1>
    %or3A_168 = arith.ori %lt3A_164, %and3A_167 : vector<2048x1xi1>
    %select_n3A_169 = arith.select %or3A_168, %select_n3A_155, %select_n3A_163 : vector<2048x1xi1>, vector<2048x1xf32>
    %convert_element_type3A_170 = arith.fptosi %select_n3A_145 : vector<2048x1xf32> to vector<2048x1xi32>
    %add3A_171 = arith.constant 0 : i32
    %add3A_172 = arith.addi %add3A_171, %arg0 : i32
    %mul3A_173 = arith.constant 2048 : i32
    %mul3A_174 = arith.muli %add3A_172, %mul3A_173 : i32
    %add3A_175 = vector.broadcast %mul3A_174 : i32 to vector<2048x1xi32>
    %add3A_176 = arith.addi %convert_element_type3A_170, %add3A_175 : vector<2048x1xi32>
    %get3A_177 = arith.constant 0 : index
    %get3A_178 = arith.constant 0 : index
    %get3A_179 = arith.constant 0 : index
    %get3A_180 = vector.load %arg3[%get3A_177, %get3A_178, %get3A_179] : memref<3x64x64xf32, #tpu.memory_space<vmem>>, vector<1x64x64xf32>
    %get3A_181 = vector.shape_cast %get3A_180 : vector<1x64x64xf32> to vector<64x64xf32>
    %dot_general3A_182 = arith.constant dense<0.000000e+00> : vector<2048x64xf32>
    %dot_general3A_183 = tpu.matmul %transpose3A, %get3A_181, %dot_general3A_182 {dimension_numbers = #tpu.dot_dimension_numbers<[1], [0], [0], [1], [0, 0, 1, 1], [], []>, transpose_lhs_hint = false} : vector<2048x64xf32>, vector<64x64xf32>, vector<2048x64xf32> -> vector<2048x64xf32>
    %get3A_184 = arith.constant 0 : index
    %get3A_185 = arith.constant 0 : index
    %get3A_186 = vector.load %arg4[%get3A_184, %get3A_185] : memref<1x64xf32, #tpu.memory_space<vmem>>, vector<1x64xf32>
    %add3A_187 = vector.broadcast %get3A_186 : vector<1x64xf32> to vector<2048x64xf32>
    %add3A_188 = arith.addf %dot_general3A_183, %add3A_187 : vector<2048x64xf32>
    %broadcast_in_dim3A_189 = arith.constant 0.000000e+00 : f32
    %broadcast_in_dim3A_190 = vector.broadcast %broadcast_in_dim3A_189 : f32 to vector<2048x64xf32>
    %concatenate3A = tpu.concatenate %add3A_188, %broadcast_in_dim3A_190 in 1 : vector<2048x64xf32>, vector<2048x64xf32> -> vector<2048x128xf32>
    %swap3A_191 = arith.constant 0 : index
    %swap3A_192 = arith.constant 0 : index
    %swap3A_193 = arith.constant 0 : index
    %swap3A_194 = arith.constant 0 : index
    %swap3A_195 = vector.load %arg5[%swap3A_191, %swap3A_192, %swap3A_193, %swap3A_194] : memref<3x1x2048x128xf32, #tpu.memory_space<vmem>>, vector<1x1x2048x128xf32>
    %swap3A_196 = vector.shape_cast %swap3A_195 : vector<1x1x2048x128xf32> to vector<2048x128xf32>
    %swap3A_197 = vector.shape_cast %concatenate3A : vector<2048x128xf32> to vector<1x1x2048x128xf32>
    tpu.vector_store %arg5[%swap3A_191, %swap3A_192, %swap3A_193, %swap3A_194], %swap3A_197 {strides = array<i32>} : memref<3x1x2048x128xf32, #tpu.memory_space<vmem>>, vector<1x1x2048x128xf32>,
    %convert_element_type3A_198 = arith.fptosi %select_n3A_162 : vector<2048x1xf32> to vector<2048x1xi32>
    %add3A_199 = arith.constant 8 : i32
    %add3A_200 = arith.addi %add3A_199, %arg0 : i32
    %mul3A_201 = arith.constant 2048 : i32
    %mul3A_202 = arith.muli %add3A_200, %mul3A_201 : i32
    %add3A_203 = vector.broadcast %mul3A_202 : i32 to vector<2048x1xi32>
    %add3A_204 = arith.addi %convert_element_type3A_198, %add3A_203 : vector<2048x1xi32>
    %get3A_205 = arith.constant 1 : index
    %get3A_206 = arith.constant 0 : index
    %get3A_207 = arith.constant 0 : index
    %get3A_208 = vector.load %arg3[%get3A_205, %get3A_206, %get3A_207] : memref<3x64x64xf32, #tpu.memory_space<vmem>>, vector<1x64x64xf32>
    %get3A_209 = vector.shape_cast %get3A_208 : vector<1x64x64xf32> to vector<64x64xf32>
    %dot_general3A_210 = arith.constant dense<0.000000e+00> : vector<2048x64xf32>
    %dot_general3A_211 = tpu.matmul %transpose3A, %get3A_209, %dot_general3A_210 {dimension_numbers = #tpu.dot_dimension_numbers<[1], [0], [0], [1], [0, 0, 1, 1], [], []>, transpose_lhs_hint = false} : vector<2048x64xf32>, vector<64x64xf32>, vector<2048x64xf32> -> vector<2048x64xf32>
    %broadcast_in_dim3A_212 = arith.constant 0.000000e+00 : f32
    %broadcast_in_dim3A_213 = vector.broadcast %broadcast_in_dim3A_212 : f32 to vector<2048x64xf32>
    %concatenate3A_214 = tpu.concatenate %dot_general3A_211, %broadcast_in_dim3A_213 in 1 : vector<2048x64xf32>, vector<2048x64xf32> -> vector<2048x128xf32>
    %swap3A_215 = arith.constant 1 : index
    %swap3A_216 = arith.constant 0 : index
    %swap3A_217 = arith.constant 0 : index
    %swap3A_218 = arith.constant 0 : index
    %swap3A_219 = vector.load %arg5[%swap3A_215, %swap3A_216, %swap3A_217, %swap3A_218] : memref<3x1x2048x128xf32, #tpu.memory_space<vmem>>, vector<1x1x2048x128xf32>
    %swap3A_220 = vector.shape_cast %swap3A_219 : vector<1x1x2048x128xf32> to vector<2048x128xf32>
    %swap3A_221 = vector.shape_cast %concatenate3A_214 : vector<2048x128xf32> to vector<1x1x2048x128xf32>
    tpu.vector_store %arg5[%swap3A_215, %swap3A_216, %swap3A_217, %swap3A_218], %swap3A_221 {strides = array<i32>} : memref<3x1x2048x128xf32, #tpu.memory_space<vmem>>, vector<1x1x2048x128xf32>,
    %convert_element_type3A_222 = arith.fptosi %select_n3A_169 : vector<2048x1xf32> to vector<2048x1xi32>
    %add3A_223 = arith.constant 16 : i32
    %add3A_224 = arith.addi %add3A_223, %arg0 : i32
    %mul3A_225 = arith.constant 2048 : i32
    %mul3A_226 = arith.muli %add3A_224, %mul3A_225 : i32
    %add3A_227 = vector.broadcast %mul3A_226 : i32 to vector<2048x1xi32>
    %add3A_228 = arith.addi %convert_element_type3A_222, %add3A_227 : vector<2048x1xi32>
    %get3A_229 = arith.constant 2 : index
    %get3A_230 = arith.constant 0 : index
    %get3A_231 = arith.constant 0 : index
    %get3A_232 = vector.load %arg3[%get3A_229, %get3A_230, %get3A_231] : memref<3x64x64xf32, #tpu.memory_space<vmem>>, vector<1x64x64xf32>
    %get3A_233 = vector.shape_cast %get3A_232 : vector<1x64x64xf32> to vector<64x64xf32>
    %dot_general3A_234 = arith.constant dense<0.000000e+00> : vector<2048x64xf32>
    %dot_general3A_235 = tpu.matmul %transpose3A, %get3A_233, %dot_general3A_234 {dimension_numbers = #tpu.dot_dimension_numbers<[1], [0], [0], [1], [0, 0, 1, 1], [], []>, transpose_lhs_hint = false} : vector<2048x64xf32>, vector<64x64xf32>, vector<2048x64xf32> -> vector<2048x64xf32>
    %broadcast_in_dim3A_236 = arith.constant 0.000000e+00 : f32
    %broadcast_in_dim3A_237 = vector.broadcast %broadcast_in_dim3A_236 : f32 to vector<2048x64xf32>
    %concatenate3A_238 = tpu.concatenate %dot_general3A_235, %broadcast_in_dim3A_237 in 1 : vector<2048x64xf32>, vector<2048x64xf32> -> vector<2048x128xf32>
    %swap3A_239 = arith.constant 2 : index
    %swap3A_240 = arith.constant 0 : index
    %swap3A_241 = arith.constant 0 : index
    %swap3A_242 = arith.constant 0 : index
    %swap3A_243 = vector.load %arg5[%swap3A_239, %swap3A_240, %swap3A_241, %swap3A_242] : memref<3x1x2048x128xf32, #tpu.memory_space<vmem>>, vector<1x1x2048x128xf32>
    %swap3A_244 = vector.shape_cast %swap3A_243 : vector<1x1x2048x128xf32> to vector<2048x128xf32>
    %swap3A_245 = vector.shape_cast %concatenate3A_238 : vector<2048x128xf32> to vector<1x1x2048x128xf32>
    tpu.vector_store %arg5[%swap3A_239, %swap3A_240, %swap3A_241, %swap3A_242], %swap3A_245 {strides = array<i32>} : memref<3x1x2048x128xf32, #tpu.memory_space<vmem>>, vector<1x1x2048x128xf32>,
    %reshape3A = vector.shape_cast %add3A_176 : vector<2048x1xi32> to vector<4x4x128xi32>
    %swap3A_246 = arith.constant 0 : index
    %swap3A_247 = arith.constant 0 : index
    %swap3A_248 = arith.constant 0 : index
    %swap3A_249 = arith.constant 0 : index
    %swap3A_250 = vector.load %arg6[%swap3A_246, %swap3A_247, %swap3A_248, %swap3A_249] : memref<3x4x4x128xi32, #tpu.memory_space<vmem>>, vector<1x4x4x128xi32>
    %swap3A_251 = vector.shape_cast %swap3A_250 : vector<1x4x4x128xi32> to vector<4x4x128xi32>
    %swap3A_252 = vector.shape_cast %reshape3A : vector<4x4x128xi32> to vector<1x4x4x128xi32>
    tpu.vector_store %arg6[%swap3A_246, %swap3A_247, %swap3A_248, %swap3A_249], %swap3A_252 {strides = array<i32>} : memref<3x4x4x128xi32, #tpu.memory_space<vmem>>, vector<1x4x4x128xi32>,
    %reshape3A_253 = vector.shape_cast %add3A_204 : vector<2048x1xi32> to vector<4x4x128xi32>
    %swap3A_254 = arith.constant 1 : index
    %swap3A_255 = arith.constant 0 : index
    %swap3A_256 = arith.constant 0 : index
    %swap3A_257 = arith.constant 0 : index
    %swap3A_258 = vector.load %arg6[%swap3A_254, %swap3A_255, %swap3A_256, %swap3A_257] : memref<3x4x4x128xi32, #tpu.memory_space<vmem>>, vector<1x4x4x128xi32>
    %swap3A_259 = vector.shape_cast %swap3A_258 : vector<1x4x4x128xi32> to vector<4x4x128xi32>
    %swap3A_260 = vector.shape_cast %reshape3A_253 : vector<4x4x128xi32> to vector<1x4x4x128xi32>
    tpu.vector_store %arg6[%swap3A_254, %swap3A_255, %swap3A_256, %swap3A_257], %swap3A_260 {strides = array<i32>} : memref<3x4x4x128xi32, #tpu.memory_space<vmem>>, vector<1x4x4x128xi32>,
    %reshape3A_261 = vector.shape_cast %add3A_228 : vector<2048x1xi32> to vector<4x4x128xi32>
    %swap3A_262 = arith.constant 2 : index
    %swap3A_263 = arith.constant 0 : index
    %swap3A_264 = arith.constant 0 : index
    %swap3A_265 = arith.constant 0 : index
    %swap3A_266 = vector.load %arg6[%swap3A_262, %swap3A_263, %swap3A_264, %swap3A_265] : memref<3x4x4x128xi32, #tpu.memory_space<vmem>>, vector<1x4x4x128xi32>
    %swap3A_267 = vector.shape_cast %swap3A_266 : vector<1x4x4x128xi32> to vector<4x4x128xi32>
    %swap3A_268 = vector.shape_cast %reshape3A_261 : vector<4x4x128xi32> to vector<1x4x4x128xi32>
    tpu.vector_store %arg6[%swap3A_262, %swap3A_263, %swap3A_264, %swap3A_265], %swap3A_268 {strides = array<i32>} : memref<3x4x4x128xi32, #tpu.memory_space<vmem>>, vector<1x4x4x128xi32>,
    return
  }
  func.func @transform_0(%arg0: i32, %arg1: i32) -> (i32, i32, i32) {
    %c0_i32 = arith.constant 0 : i32
    %c0_i32_0 = arith.constant 0 : i32
    %c0_i32_1 = arith.constant 0 : i32
    return %arg0, %c0_i32, %c0_i32_0 : i32, i32, i32
  }
  func.func @transform_1(%arg0: i32, %arg1: i32) -> (i32, i32, i32) {
    %c0_i32 = arith.constant 0 : i32
    %c0_i32_0 = arith.constant 0 : i32
    %c0_i32_1 = arith.constant 0 : i32
    %c0_i32_2 = arith.constant 0 : i32
    return %c0_i32, %c0_i32_0, %c0_i32_1 : i32, i32, i32
  }
  func.func @transform_2(%arg0: i32, %arg1: i32) -> (i32, i32) {
    %c0_i32 = arith.constant 0 : i32
    %c0_i32_0 = arith.constant 0 : i32
    %c0_i32_1 = arith.constant 0 : i32
    return %c0_i32, %c0_i32_0 : i32, i32
  }
  func.func @transform_3(%arg0: i32, %arg1: i32) -> (i32, i32, i32, i32) {
    %c0_i32 = arith.constant 0 : i32
    %c0_i32_0 = arith.constant 0 : i32
    %c0_i32_1 = arith.constant 0 : i32
    return %c0_i32, %arg0, %arg1, %c0_i32_0 : i32, i32, i32, i32
  }
  func.func @transform_4(%arg0: i32, %arg1: i32) -> (i32, i32, i32, i32) {
    %c0_i32 = arith.constant 0 : i32
    %c0_i32_0 = arith.constant 0 : i32
    %c0_i32_1 = arith.constant 0 : i32
    return %c0_i32, %arg0, %arg1, %c0_i32_0 : i32, i32, i32, i32
  }
}

</mosaic_0001>

<sc_bundles>
// kernel: kernel.4.cloned.1.call-start
scs
__scs_entry_jumppad:
0x0: {  	(pc) =	sbr.rel $0x88, $3  }
0x1: {  	(tag) =	ssettag $0x0;
	lr =	simm.s32 $0x1  }
0x2: {  	[smem:$0x3F9E] =	sst lr;
	_ =	strace $0xD0000000  }
0x3: {  	_ = 	snop  }
0x4: {  	_ = 	snop  }
0x5: {  	_ = 	snop  }
0x6: {  	_ = 	snop  }
0x7: {  	_ = 	snop  }
__scs_overlays_trampoline_lowered:
0x8: {  	[smem:$0x3FAD] =	sst s0  }
0x9: {  	[smem:$0x3FAE] =	sst s1  }
0xa: {  	[smem:$0x3FAF] =	sst s2  }
0xb: {  	[smem:$0x3FB0] =	sst s3  }
0xc: {  	[smem:$0x3FB1] =	sst s4  }
0xd: {  	[smem:$0x3FB2] =	sst s5  }
0xe: {  	[smem:$0x3FB3] =	sst s6  }
0xf: {  	[smem:$0x3FB4] =	sst s7  }
0x10: {  	[smem:$0x3FB5] =	sst s8  }
0x11: {  	[smem:$0x3FB6] =	sst s9;
	s0 =	simm.s32 @!p0 $0x0  }
0x12: {  	s1 =	sld [smem:$0x3F9C];
	s0 =	simm.s32 @p0 $0x1  }
0x13: {  	[smem:$0x3FB7] =	sst s0;
	s0 =	simm.s32 @!p1 $0x0  }
0x14: {  	s2 =	sld [smem:$0x3F9B];
	s0 =	simm.s32 @p1 $0x1  }
0x15: {  	[smem:$0x3FB8] =	sst s0;
	s0 =	simm.s32 @!p2 $0x0  }
0x16: {  	s3 =	sld [smem:$0x3FDB];
	s0 =	simm.s32 @p2 $0x1  }
0x17: {  	s4 =	simm.s32 $0x1BF5;
	[smem:$0x3FBA] =	sst s0  }
0x18: {  	s0 =	sld [smem:$0x3F9D];
	_ =	swait.ge [sflag:s4], $0x0  }
0x19: {  	s7 =	sld [smem:$0x3F9E]  }
0x1a: {  	s8 =	sadd.s32 $0xFFFFE003, lr  }
0x1b: {  	s9 =	sadd.s32 $0xFFFFFEF7, lr;
	s5 =	simm.s32 $0xFFFFFFFF;
	p2 =	slt.u32 s8, $0xFFFFF086  }
0x1c: {  	p1 =	slt.u32 s9, $0xF7A;
	s5 =	simm.s32 @!p2 $0x0  }
0x1d: {  	s5 =	simm.s32 @p1 $0x1;
	p0 =	seq.s32 s7, s2  }
0x1e: {  	s7 =	smul.u32 @!p0 $0xF7A, s2;
	p2 =	seq.s32 @!p0 s5, $0x0  }
0x1f: {  	s9 =	smul.u32 $0xF7A, s1;
	s8 =	simm.s32 @!p0 $0x1BF5;
	p2 =	por !p2, p0  }
0x20: {  	[sflag:s8] =	ssyncset.s32 @!p0 $0xFFFFF086;
	s6 =	sadd.s32 @!p0 s3, s7;
	s7 =	simm.s32 @!p0 $0x108  }
0x21: {  	s3 =	sadd.s32 s3, s9;
	s6 =	sadd.s32 @!p0 $0x88, s6;
	s7 =	simm.s32 @p2 $0x1082  }
0x22: {  	[simem:s7], [sflag:s8] =	dma.local @!p0 [hbm:s6], $0xF7A  }
0x23: {  	s9 =	sor.u32 $0xD0000000, s2;
	s6 =	simm.s32 $0x108;
	_ =	swait.ge @!p0 [sflag:s8], $0x0  }
0x24: {  	s3 =	sadd.s32 $0x88, s3;
	s6 =	simm.s32 @!p1 $0x1082;
	[sflag:s4] =	ssyncset.s32 $0xFFFFF086  }
0x25: {  	[simem:s6], [sflag:s4] =	dma.local [hbm:s3], $0xF7A  }
0x26: {  	[smem:$0x3F9E] =	sst s1;
	(tag) =	ssettag s2;
	_ =	strace s9  }
0x27: {  	s1 =	sld [smem:$0x3FAE]  }
0x28: {  	s2 =	sld [smem:$0x3FAF]  }
0x29: {  	s4 =	sld [smem:$0x3FB1]  }
0x2a: {  	p0 =	seq.s32 s5, $0x0;
	s5 =	sld [smem:$0x3FB2]  }
0x2b: {  	s6 =	sld [smem:$0x3FB3]  }
0x2c: {  	s7 =	sld [smem:$0x3FB4]  }
0x2d: {  	s3 =	simm.s32 $0x108;
	s8 =	sld [smem:$0x3FB5]  }
0x2e: {  	s3 =	simm.s32 @!p0 $0x1082;
	s9 =	sld [smem:$0x3FB6]  }
0x2f: {  	lr =	sadd.s32 s0, s3;
	s0 =	sld [smem:$0x3FAD]  }
0x30: {  	s3 =	sld [smem:$0x3FB0]  }
0x31: {  	[smem:$0x3FB9] =	sst s10  }
0x32: {  	s10 =	sld [smem:$0x3FB7];
	_ =	sdelay $0x3  }
0x33: {  	p0 =	seq.s32 s10, $0x1;
	s10 =	sld [smem:$0x3FB9];
	_ =	sdelay $0x3  }
0x34: {  	[smem:$0x3FB9] =	sst s10  }
0x35: {  	s10 =	sld [smem:$0x3FB8];
	_ =	sdelay $0x3  }
0x36: {  	p1 =	seq.s32 s10, $0x1;
	s10 =	sld [smem:$0x3FB9];
	_ =	sdelay $0x3  }
0x37: {  	[smem:$0x3FB9] =	sst s10  }
0x38: {  	s10 =	sld [smem:$0x3FBA]  }
0x39: {  	_ = 	snop;
	(pc) =	sbr.ind lr, $3  }
0x3a: {  	_ = 	snop  }
0x3b: {  	_ = 	snop  }
0x3c: {  	p2 =	seq.s32 s10, $0x1;
	s10 =	sld [smem:$0x3FB9]  }
0x3d: {  	_ =	shalt  }
0x3e: {  	_ =	shalt  }
0x3f: {  	_ =	shalt  }
0x40: {  	_ =	shalt  }
0x41: {  	_ =	shalt  }
0x42: {  	_ =	shalt  }
0x43: {  	_ =	shalt  }
0x44: {  	_ =	shalt  }
0x45: {  	_ =	shalt  }
0x46: {  	_ =	shalt  }
0x47: {  	_ =	shalt  }
0x48: {  	_ =	shalt  }
0x49: {  	_ =	shalt  }
0x4a: {  	_ =	shalt  }
0x4b: {  	_ =	shalt  }
0x4c: {  	_ =	shalt  }
0x4d: {  	_ =	shalt  }
0x4e: {  	_ =	shalt  }
0x4f: {  	_ =	shalt  }
0x50: {  	_ =	shalt  }
0x51: {  	_ =	shalt  }
0x52: {  	_ =	shalt  }
0x53: {  	_ =	shalt  }
0x54: {  	_ =	shalt  }
0x55: {  	_ =	shalt  }
0x56: {  	_ =	shalt  }
0x57: {  	_ =	shalt  }
0x58: {  	_ =	shalt  }
0x59: {  	_ =	shalt  }
0x5a: {  	_ =	shalt  }
0x5b: {  	_ =	shalt  }
0x5c: {  	_ =	shalt  }
0x5d: {  	_ =	shalt  }
0x5e: {  	_ =	shalt  }
0x5f: {  	_ =	shalt  }
0x60: {  	_ =	shalt  }
0x61: {  	_ =	shalt  }
0x62: {  	_ =	shalt  }
0x63: {  	_ =	shalt  }
0x64: {  	_ =	shalt  }
0x65: {  	_ =	shalt  }
0x66: {  	_ =	shalt  }
0x67: {  	_ =	shalt  }
0x68: {  	_ =	shalt  }
0x69: {  	_ =	shalt  }
0x6a: {  	_ =	shalt  }
0x6b: {  	_ =	shalt  }
0x6c: {  	_ =	shalt  }
0x6d: {  	_ =	shalt  }
0x6e: {  	_ =	shalt  }
0x6f: {  	_ =	shalt  }
0x70: {  	_ =	shalt  }
0x71: {  	_ =	shalt  }
0x72: {  	_ =	shalt  }
0x73: {  	_ =	shalt  }
0x74: {  	_ =	shalt  }
0x75: {  	_ =	shalt  }
0x76: {  	_ =	shalt  }
0x77: {  	_ =	shalt  }
0x78: {  	_ =	shalt  }
0x79: {  	_ =	shalt  }
0x7a: {  	_ =	shalt  }
0x7b: {  	_ =	shalt  }
0x7c: {  	_ =	shalt  }
0x7d: {  	_ =	shalt  }
0x7e: {  	_ =	shalt  }
0x7f: {  	_ =	shalt  }
0x80: {  	_ =	shalt  }
0x81: {  	_ =	shalt  }
0x82: {  	_ =	shalt  }
0x83: {  	_ =	shalt  }
0x84: {  	_ =	shalt  }
0x85: {  	_ =	shalt  }
0x86: {  	_ =	shalt  }
0x87: {  	_ =	shalt  }
.Lfunc_end0:
.L_simem_size_0:
called_computation_lowered:
.L_overlay_start_0:
0x88: {  	s2 =	sld [smem:$0x3FD9]  }
0x89: {  	s3 =	sld [smem:$0x3FFE];
	_ =	sdelay $0x1  }
0x8a: {  	s1 =	srdreg.scid  }
0x8b: {  	s0 =	sand.u32 $0x1, s1  }
0x8c: {  	s17 =	sshll.u32 s0, $0xA;
	s2 =	sadd.s32 s3, s2  }
0x8d: {  	s2 =	sadd.s32 s2, s17  }
0x8e: {  	[smem:$0x3FC5] =	sst s2  }
0x8f: {  	_ = 	snop  }
0x90: {  	s2 =	sld [smem:$0x3FD0];
	(tm) =	ssettm $0x1  }
0x91: {  	s18 =	sld [smem:$0x3FFB];
	_ =	sdelay $0x3  }
0x92: {  	_ =	strace s18  }
0x93: {  	s3 =	sld [smem:$0x3FFC];
	_ =	sdelay $0x3  }
0x94: {  	_ =	strace s3  }
0x95: {  	s3 =	sld [smem:$0x3FFD];
	_ =	sdelay $0x3  }
0x96: {  	_ =	strace s3  }
0x97: {  	_ =	strace $0x8FFFFFFF  }
0x98: {  	s19 =	sld [smem:$0x3FDB];
	_ =	sdelay $0x1  }
0x99: {  	s4 =	simm.s32 $_scs_section_size  }
0x9a: {  	s5 =	simm.s32 $_size__tile_overlayer_lowered;
	s6 =	simm.s32 $_tile_overlayer_lowered  }
0x9b: {  	s22 =	simm.s32 $0x1BFF;
	s21 =	sshll.u32 s6, $0x1;
	s3 =	sadd.s32 s4, s19  }
0x9c: {  	s7 =	simm.s32 $0x0;
	s20 =	sshll.u32 s5, $0x1;
	s5 =	sadd.s32 s21, s3  }
0x9d: {  	[timem:s7], [sflag:s22] =	dma.local [hbm:s5], s20  }
0x9e: {  	_ =	swait.ge [sflag:s22], s20  }
0x9f: {  	s4 =	ssub.s32 $0x0, s20;
	[sflag:s22] =	ssyncset.done $0x0  }
0xa0: {  	[sflag:s22] =	ssyncadd.s32 s4;
	_ =	sdelay $0x1  }
0xa1: {  	s23 =	simm.s32 $0x1B8B  }
0xa2: {  	_ =	swait.ge [sflag:s23], $0x1  }
0xa3: {  	[sflag:s23] =	ssyncset.done $0x0  }
0xa4: {  	s25 =	simm.s32 $0x1B8E;
	s24 =	sld [smem:$0x3FFE];
	[sflag:s23] =	ssyncadd.s32 $0xFFFFFFFF  }
0xa5: {  	s26 =	simm.s32 $execute0_lowered;
	[smem:$0x3FD2] =	sst s25  }
0xa6: {  	s5 =	sshll.u32 s26, $0x1;
	_ =	strace $0x80000046;
	[dreg:$0x1] =	wrdreg $0xFFFFFFFF  }
0xa7: {  	s28 =	simm.s32 $_size_execute0_lowered;
	s3 =	sadd.s32 s3, s5;
	[dreg:$0x0] =	wrdreg $0x0  }
0xa8: {  	s5 =	sshll.u32 s28, $0x1;
	[dreg:$0x2] =	wrdreg s3  }
0xa9: {  	[dreg:$0x3] =	wrdreg s5  }
0xaa: {  	[dreg:$0x4] =	wrdreg $0xC0  }
0xab: {  	_ =	task [dreg:s7], $0x5FFFF  }
0xac: {  	[dreg:$0x1] =	wrdreg $0xFFFFFFFF  }
0xad: {  	[dreg:$0x0] =	wrdreg $0x60  }
0xae: {  	[dreg:$0x2] =	wrdreg s24  }
0xaf: {  	[dreg:$0x3] =	wrdreg s2  }
0xb0: {  	[dreg:$0x4] =	wrdreg $0x9  }
0xb1: {  	_ =	task.clear_ibuf [dreg:s7], $0x5FFFF;
	_ =	strace $0x90000046  }
0xb2: {  	s29 =	simm.s32 $0x9;
	_ =	strace $0x80000048  }
0xb3: {  	_ =	swait.ge [sflag:s29], $0x1  }
0xb4: {  	[sflag:s29] =	ssyncadd.s32 $0xFFFFFFFF  }
0xb5: {  	_ =	strace $0x90000048  }
0xb6: {  	_ =	sfence  }
0xb7: {  	s30 =	sld [smem:$0x0];
	_ =	sdelay $0x2  }
0xb8: {  	s31 =	sshll.u32 s1, $0xD;
	s1 =	sshrl.u32 s1, $0x2  }
0xb9: {  	s3 =	sand.u32 $0x4000, s31;
	s1 =	sadd.s32 s1, s30  }
0xba: {  	s0 =	sor.u32 s3, s0;
	s1 =	sshll.u32 s1, $0x11  }
0xbb: {  	s0 =	sor.u32 s1, s0  }
0xbc: {  	s0 =	sadd.s32 $0x8F2B, s0  }
0xbd: {  	[sflag:s0] =	ssyncadd.remote.s32 $0x1  }
0xbe: {  	_ =	sfence.sel $0xFFFF  }
0xbf: {  	[dreg:$0x0] =	wrdreg $0xFFFFFFFF;
	(pc) =	sbr.abs _section_cstart, $3  }
0xc0: {  	[dreg:$0x1] =	wrdreg $0xFFFFFFFF  }
0xc1: {  	_ =	task.clear_ibuf [dreg:s7], $0x2FFFF;
	_ =	strace $0x9FFFFFFF  }
0xc2: {  	(tm) =	ssettm $0x7FFFFFFF  }
0xc3: {  	_ =	shalt  }
tec
execute0_lowered:
.L_overlay_start_1:
0x0: {  	(tag) =	ssettag $0x1  }
0x1: {  	s0 =	rddreg [dreg:$0x0]  }
0x2: {  	s1 =	rddreg [dreg:$0x1];
	s2 =	simm.s32 $0x0  }
0x3: {  	s3 =	srdreg.scid;
	s5 =	stileid.u32;
	s10 =	simm.s32 $0x200  }
0x4: {  	s12 =	simm.s32 $0x3;
	s13 =	simm.s32 $0x80;
	s14 =	simm.s32 $0x600  }
0x5: {  	s15 =	simm.s32 $0x4600;
	s17 =	simm.s32 $0x8600;
	s18 =	simm.s32 $0xC600  }
0x6: {  	s20 =	simm.s32 $0x10600;
	s22 =	simm.s32 $0x14600;
	s23 =	simm.s32 $0x1  }
0x7: {  	s24 =	simm.s32 $0x18600;
	s28 =	simm.s32 $0x500;
	s29 =	simm.s32 $0x2  }
0x8: {  	s30 =	simm.s32 $0x180;
	s31 =	simm.s32 $0x380;
	[smem:$0x7FF] =	sst s2  }
0x9: {  	s4 =	sand.u32 $0x1, s3;
	s25 =	sshll.u32 s5, $0x1;
	s3 =	sadd.s32 $0xC00, s0  }
0xa: {  	_ =	strace $0x80000047;
	s5 =	sor.u32 s4, s25;
	s4 =	ssub.s32 $0x2, s4  }
0xb: {  	s25 =	simm.s32 $0x100;
	s6 =	sshll.u32 s5, $0x6;
	s26 =	sshrl.u32 s4, $0x1  }
0xc: {  	s5 =	sshll.u32 s5, $0xC;
	s0 =	sadd.s32 s6, s0;
	s9 =	ssub.s32 s4, s26  }
0xd: {  	s5 =	sadd.s32 s1, s5;
	s26 =	simm.s32 $0x300;
	s1 =	simm.s32 $0x0  }
0xe: {  	s4 =	sadd.s32 $0xC0C00, s0;
	s6 =	sadd.s32 $0x400, s5;
	s7 =	sadd.s32 $0x800, s5  }
0xf: {  	s8 =	sadd.s32 $0xC00, s5;
	s9 =	smax.u32 s9, $0x1;
	s0 =	simm.s32 $0x580  }
.LBB2_1:
0x10: {  	s11 =	simm.s32 $0x4000  }
0x11: {  	[tilespmem:s2], [sflag:$0x3] =	stream.strided.gather [hbm4b:s4+s10], $0x600, s11, s10, $0x38;
	[tilespmem:$0x1A600] =	vst v63  }
0x12: {  	_ =	swait.ge [sflag:s12], $0x600  }
0x13: {  	[sflag:s12] =	ssyncset.done $0x0  }
0x14: {  	[sflag:s12] =	ssyncadd.s32 $0xFFFFFA00  }
0x15: {  	[tilespmem:s14], [sflag:$0x1] =	stream.indirect.gather [hbm4b:s3+s13], $0x80, s2, s13, $0xb8;
	[tilespmem:$0x1A600] =	vst v63  }
0x16: {  	_ = 	snop  }
0x17: {  	[tilespmem:s15], [sflag:$0x1] =	stream.indirect.gather [hbm4b:s3+s13], $0x80, s10, s13, $0xb8;
	[tilespmem:$0x1A600] =	vst v63  }
0x18: {  	s16 =	simm.s32 $0x400  }
0x19: {  	[tilespmem:s17], [sflag:$0x1] =	stream.indirect.gather [hbm4b:s3+s13], $0x80, s16, s13, $0xb8;
	[tilespmem:$0x1A600] =	vst v63  }
0x1a: {  	_ = 	snop  }
0x1b: {  	[tilespmem:s18], [sflag:$0x2] =	stream.indirect.gather [hbm4b:s3+s13], $0x80, s13, s13, $0xb8;
	[tilespmem:$0x1A600] =	vst v63  }
0x1c: {  	s19 =	simm.s32 $0x280  }
0x1d: {  	[tilespmem:s20], [sflag:$0x2] =	stream.indirect.gather [hbm4b:s3+s13], $0x80, s19, s13, $0xb8;
	[tilespmem:$0x1A600] =	vst v63  }
0x1e: {  	s21 =	simm.s32 $0x480  }
0x1f: {  	[tilespmem:s22], [sflag:$0x2] =	stream.indirect.gather [hbm4b:s3+s13], $0x80, s21, s13, $0xb8;
	[tilespmem:$0x1A600] =	vst v63  }
0x20: {  	_ =	swait.ge [sflag:s23], $0x4000  }
0x21: {  	[sflag:s23] =	ssyncset.done $0x0  }
0x22: {  	[sflag:s23] =	ssyncadd.s32 $0xFFFFC000  }
0x23: {  	_ =	swait.ge [sflag:s23], $0x4000  }
0x24: {  	[sflag:s23] =	ssyncset.done $0x0  }
0x25: {  	[sflag:s23] =	ssyncadd.s32 $0xFFFFC000  }
0x26: {  	_ =	swait.ge [sflag:s23], $0x4000  }
0x27: {  	[sflag:s23] =	ssyncset.done $0x0  }
0x28: {  	s16 =	simm.s32 $0x0;
	[sflag:s23] =	ssyncadd.s32 $0xFFFFC000  }
0x29: {  	v0 =	vld [tilespmem:s16+$0x600]  }
0x2a: {  	v1 =	vld [tilespmem:s16+$0x4600];
	_ =	sdelay $0x1  }
0x2b: {  	v2 =	vld [tilespmem:s16+$0x8600];
	_ =	sdelay $0x2  }
0x2c: {  	v0 =	vadd.f32 v1, v0;
	_ =	sdelay $0x1  }
0x2d: {  	v0 =	vadd.f32 v2, v0  }
0x2e: {  	s11 =	simm.s32 $0x18620  }
0x2f: {  	[tilespmem:s11+$0xFFFFFFE0] =	vst v0  }
0x30: {  	v0 =	vld [tilespmem:s16+$0x610]  }
0x31: {  	v1 =	vld [tilespmem:s16+$0x4610];
	_ =	sdelay $0x1  }
0x32: {  	v2 =	vld [tilespmem:s16+$0x8610];
	_ =	sdelay $0x2  }
0x33: {  	v0 =	vadd.f32 v1, v0;
	_ =	sdelay $0x1  }
0x34: {  	v0 =	vadd.f32 v2, v0;
	_ =	sdelay $0x1  }
0x35: {  	[tilespmem:s11+$0xFFFFFFF0] =	vst v0  }
0x36: {  	v0 =	vld [tilespmem:s16+$0x620]  }
0x37: {  	v1 =	vld [tilespmem:s16+$0x4620];
	_ =	sdelay $0x1  }
0x38: {  	v2 =	vld [tilespmem:s16+$0x8620];
	_ =	sdelay $0x2  }
0x39: {  	v0 =	vadd.f32 v1, v0;
	_ =	sdelay $0x1  }
0x3a: {  	v0 =	vadd.f32 v2, v0;
	_ =	sdelay $0x1  }
0x3b: {  	[tilespmem:s11+$0x0] =	vst v0  }
0x3c: {  	v0 =	vld [tilespmem:s16+$0x630]  }
0x3d: {  	v1 =	vld [tilespmem:s16+$0x4630]  }
0x3e: {  	s19 =	simm.s32 $0x200;
	v2 =	vld [tilespmem:s16+$0x8630];
	s16 =	simm.s32 $0x18620  }
.LBB2_2:
0x3f: {  	_ = 	snop  }
0x40: {  	p0 =	sne.s32 s19, $0xFE00  }
0x41: {  	s11 =	sadd.s32 $0x40, s11;
	s21 =	smov.u32 s19;
	s19 =	sadd.s32 $0x200, s19  }
0x42: {  	v0 =	vadd.f32 v1, v0;
	_ =	sdelay $0x1  }
0x43: {  	v0 =	vadd.f32 v2, v0  }
0x44: {  	s21 =	sshra.s32 s21, $0x2  }
0x45: {  	[tilespmem:s16+$0x10] =	vst v0;
	s16 =	smov.u32 s11  }
0x46: {  	v0 =	vld [tilespmem:s21+$0x600]  }
0x47: {  	v1 =	vld [tilespmem:s21+$0x4600];
	_ =	sdelay $0x1  }
0x48: {  	v2 =	vld [tilespmem:s21+$0x8600];
	_ =	sdelay $0x2  }
0x49: {  	v0 =	vadd.f32 v1, v0;
	_ =	sdelay $0x1  }
0x4a: {  	v0 =	vadd.f32 v2, v0;
	_ =	sdelay $0x1  }
0x4b: {  	[tilespmem:s11+$0xFFFFFFE0] =	vst v0  }
0x4c: {  	v0 =	vld [tilespmem:s21+$0x610]  }
0x4d: {  	v1 =	vld [tilespmem:s21+$0x4610];
	_ =	sdelay $0x1  }
0x4e: {  	v2 =	vld [tilespmem:s21+$0x8610];
	_ =	sdelay $0x2  }
0x4f: {  	v0 =	vadd.f32 v1, v0;
	_ =	sdelay $0x1  }
0x50: {  	v0 =	vadd.f32 v2, v0;
	_ =	sdelay $0x1  }
0x51: {  	[tilespmem:s11+$0xFFFFFFF0] =	vst v0  }
0x52: {  	v0 =	vld [tilespmem:s21+$0x620]  }
0x53: {  	v1 =	vld [tilespmem:s21+$0x4620];
	_ =	sdelay $0x1  }
0x54: {  	v2 =	vld [tilespmem:s21+$0x8620];
	_ =	sdelay $0x2  }
0x55: {  	v0 =	vadd.f32 v1, v0;
	_ =	sdelay $0x1  }
0x56: {  	v0 =	vadd.f32 v2, v0  }
.Ltmp0:
0x57: {  	(pc) =	sbr.rel @p0 .LBB2_2-.Ltmp0, $4  }
0x58: {  	[tilespmem:s11+$0x0] =	vst v0  }
0x59: {  	v0 =	vld [tilespmem:s21+$0x630]  }
0x5a: {  	v1 =	vld [tilespmem:s21+$0x4630]  }
0x5b: {  	v2 =	vld [tilespmem:s21+$0x8630]  }
0x5c: {  	_ =	sdelay $0x2  }
0x5d: {  	v0 =	vadd.f32 v1, v0;
	_ =	sdelay $0x1  }
0x5e: {  	v0 =	vadd.f32 v2, v0;
	_ =	sdelay $0x1  }
0x5f: {  	s11 =	simm.s32 $0x0;
	[tilespmem:s16+$0x10] =	vst v0  }
0x60: {  	[hbm4b:s5+s11] =	stream.linear.scatter [tilespmem:s24], [sflag:$0x3], $0x2000, $0x38;
	[tilespmem:$0x1A600] =	vst v63  }
0x61: {  	_ =	swait.ge [sflag:s12], $0x2000  }
0x62: {  	[sflag:s12] =	ssyncset.done $0x0  }
0x63: {  	[sflag:s12] =	ssyncadd.s32 $0xFFFFE000  }
0x64: {  	[tilespmem:s14], [sflag:$0x1] =	stream.indirect.gather [hbm4b:s3+s13], $0x80, s25, s13, $0xb8;
	[tilespmem:$0x1A600] =	vst v63  }
0x65: {  	_ = 	snop  }
0x66: {  	[tilespmem:s15], [sflag:$0x1] =	stream.indirect.gather [hbm4b:s3+s13], $0x80, s26, s13, $0xb8;
	[tilespmem:$0x1A600] =	vst v63  }
0x67: {  	_ = 	snop  }
0x68: {  	[tilespmem:s17], [sflag:$0x1] =	stream.indirect.gather [hbm4b:s3+s13], $0x80, s28, s13, $0xb8;
	[tilespmem:$0x1A600] =	vst v63  }
0x69: {  	_ =	swait.ge [sflag:s29], $0x4000  }
0x6a: {  	[sflag:s29] =	ssyncset.done $0x0  }
0x6b: {  	[sflag:s29] =	ssyncadd.s32 $0xFFFFC000  }
0x6c: {  	_ =	swait.ge [sflag:s29], $0x4000  }
0x6d: {  	[sflag:s29] =	ssyncset.done $0x0  }
0x6e: {  	[sflag:s29] =	ssyncadd.s32 $0xFFFFC000  }
0x6f: {  	_ =	swait.ge [sflag:s29], $0x4000  }
0x70: {  	[sflag:s29] =	ssyncset.done $0x0  }
0x71: {  	s21 =	simm.s32 $0x0;
	[sflag:s29] =	ssyncadd.s32 $0xFFFFC000  }
0x72: {  	v0 =	vld [tilespmem:s21+$0xC600]  }
0x73: {  	v1 =	vld [tilespmem:s21+$0x10600];
	_ =	sdelay $0x1  }
0x74: {  	v2 =	vld [tilespmem:s21+$0x14600];
	_ =	sdelay $0x2  }
0x75: {  	v0 =	vadd.f32 v1, v0;
	_ =	sdelay $0x1  }
0x76: {  	v0 =	vadd.f32 v2, v0  }
0x77: {  	s11 =	simm.s32 $0x18620  }
0x78: {  	[tilespmem:s11+$0xFFFFFFE0] =	vst v0  }
0x79: {  	v0 =	vld [tilespmem:s21+$0xC610]  }
0x7a: {  	v1 =	vld [tilespmem:s21+$0x10610];
	_ =	sdelay $0x1  }
0x7b: {  	v2 =	vld [tilespmem:s21+$0x14610];
	_ =	sdelay $0x2  }
0x7c: {  	v0 =	vadd.f32 v1, v0;
	_ =	sdelay $0x1  }
0x7d: {  	v0 =	vadd.f32 v2, v0;
	_ =	sdelay $0x1  }
0x7e: {  	[tilespmem:s11+$0xFFFFFFF0] =	vst v0  }
0x7f: {  	v0 =	vld [tilespmem:s21+$0xC620]  }
0x80: {  	v1 =	vld [tilespmem:s21+$0x10620];
	_ =	sdelay $0x1  }
0x81: {  	v2 =	vld [tilespmem:s21+$0x14620];
	_ =	sdelay $0x2  }
0x82: {  	v0 =	vadd.f32 v1, v0;
	_ =	sdelay $0x1  }
0x83: {  	v0 =	vadd.f32 v2, v0;
	_ =	sdelay $0x1  }
0x84: {  	[tilespmem:s11+$0x0] =	vst v0  }
0x85: {  	v0 =	vld [tilespmem:s21+$0xC630]  }
0x86: {  	v1 =	vld [tilespmem:s21+$0x10630]  }
0x87: {  	s19 =	simm.s32 $0x200;
	s16 =	simm.s32 $0x18620;
	v2 =	vld [tilespmem:s21+$0x14630]  }
.LBB2_4:
0x88: {  	_ = 	snop  }
0x89: {  	p0 =	sne.s32 s19, $0xFE00  }
0x8a: {  	s11 =	sadd.s32 $0x40, s11;
	s21 =	smov.u32 s19;
	s19 =	sadd.s32 $0x200, s19  }
0x8b: {  	v0 =	vadd.f32 v1, v0;
	_ =	sdelay $0x1  }
0x8c: {  	v0 =	vadd.f32 v2, v0  }
0x8d: {  	s21 =	sshra.s32 s21, $0x2  }
0x8e: {  	[tilespmem:s16+$0x10] =	vst v0;
	s16 =	smov.u32 s11  }
0x8f: {  	v0 =	vld [tilespmem:s21+$0xC600]  }
0x90: {  	v1 =	vld [tilespmem:s21+$0x10600];
	_ =	sdelay $0x1  }
0x91: {  	v2 =	vld [tilespmem:s21+$0x14600];
	_ =	sdelay $0x2  }
0x92: {  	v0 =	vadd.f32 v1, v0;
	_ =	sdelay $0x1  }
0x93: {  	v0 =	vadd.f32 v2, v0;
	_ =	sdelay $0x1  }
0x94: {  	[tilespmem:s11+$0xFFFFFFE0] =	vst v0  }
0x95: {  	v0 =	vld [tilespmem:s21+$0xC610]  }
0x96: {  	v1 =	vld [tilespmem:s21+$0x10610];
	_ =	sdelay $0x1  }
0x97: {  	v2 =	vld [tilespmem:s21+$0x14610];
	_ =	sdelay $0x2  }
0x98: {  	v0 =	vadd.f32 v1, v0;
	_ =	sdelay $0x1  }
0x99: {  	v0 =	vadd.f32 v2, v0;
	_ =	sdelay $0x1  }
0x9a: {  	[tilespmem:s11+$0xFFFFFFF0] =	vst v0  }
0x9b: {  	v0 =	vld [tilespmem:s21+$0xC620]  }
0x9c: {  	v1 =	vld [tilespmem:s21+$0x10620];
	_ =	sdelay $0x1  }
0x9d: {  	v2 =	vld [tilespmem:s21+$0x14620];
	_ =	sdelay $0x2  }
0x9e: {  	v0 =	vadd.f32 v1, v0;
	_ =	sdelay $0x1  }
0x9f: {  	v0 =	vadd.f32 v2, v0  }
.Ltmp1:
0xa0: {  	(pc) =	sbr.rel @p0 .LBB2_4-.Ltmp1, $4  }
0xa1: {  	[tilespmem:s11+$0x0] =	vst v0  }
0xa2: {  	v0 =	vld [tilespmem:s21+$0xC630]  }
0xa3: {  	v1 =	vld [tilespmem:s21+$0x10630]  }
0xa4: {  	v2 =	vld [tilespmem:s21+$0x14630]  }
0xa5: {  	_ =	sdelay $0x2  }
0xa6: {  	v0 =	vadd.f32 v1, v0;
	_ =	sdelay $0x1  }
0xa7: {  	v0 =	vadd.f32 v2, v0;
	_ =	sdelay $0x1  }
0xa8: {  	s11 =	simm.s32 $0x0;
	[tilespmem:s16+$0x10] =	vst v0  }
0xa9: {  	[hbm4b:s6+s11] =	stream.linear.scatter [tilespmem:s24], [sflag:$0x3], $0x2000, $0x38;
	[tilespmem:$0x1A600] =	vst v63  }
0xaa: {  	_ =	swait.ge [sflag:s12], $0x2000  }
0xab: {  	[sflag:s12] =	ssyncset.done $0x0  }
0xac: {  	[sflag:s12] =	ssyncadd.s32 $0xFFFFE000  }
0xad: {  	[tilespmem:s18], [sflag:$0x2] =	stream.indirect.gather [hbm4b:s3+s13], $0x80, s30, s13, $0xb8;
	[tilespmem:$0x1A600] =	vst v63  }
0xae: {  	_ = 	snop  }
0xaf: {  	[tilespmem:s20], [sflag:$0x2] =	stream.indirect.gather [hbm4b:s3+s13], $0x80, s31, s13, $0xb8;
	[tilespmem:$0x1A600] =	vst v63  }
0xb0: {  	_ = 	snop  }
0xb1: {  	[tilespmem:s22], [sflag:$0x2] =	stream.indirect.gather [hbm4b:s3+s13], $0x80, s0, s13, $0xb8;
	[tilespmem:$0x1A600] =	vst v63  }
0xb2: {  	_ =	swait.ge [sflag:s23], $0x4000  }
0xb3: {  	[sflag:s23] =	ssyncset.done $0x0  }
0xb4: {  	[sflag:s23] =	ssyncadd.s32 $0xFFFFC000  }
0xb5: {  	_ =	swait.ge [sflag:s23], $0x4000  }
0xb6: {  	[sflag:s23] =	ssyncset.done $0x0  }
0xb7: {  	[sflag:s23] =	ssyncadd.s32 $0xFFFFC000  }
0xb8: {  	_ =	swait.ge [sflag:s23], $0x4000  }
0xb9: {  	[sflag:s23] =	ssyncset.done $0x0  }
0xba: {  	s21 =	simm.s32 $0x0;
	[sflag:s23] =	ssyncadd.s32 $0xFFFFC000  }
0xbb: {  	v0 =	vld [tilespmem:s21+$0x600]  }
0xbc: {  	v1 =	vld [tilespmem:s21+$0x4600];
	_ =	sdelay $0x1  }
0xbd: {  	v2 =	vld [tilespmem:s21+$0x8600];
	_ =	sdelay $0x2  }
0xbe: {  	v0 =	vadd.f32 v1, v0;
	_ =	sdelay $0x1  }
0xbf: {  	v0 =	vadd.f32 v2, v0  }
0xc0: {  	s11 =	simm.s32 $0x18620  }
0xc1: {  	[tilespmem:s11+$0xFFFFFFE0] =	vst v0  }
0xc2: {  	v0 =	vld [tilespmem:s21+$0x610]  }
0xc3: {  	v1 =	vld [tilespmem:s21+$0x4610];
	_ =	sdelay $0x1  }
0xc4: {  	v2 =	vld [tilespmem:s21+$0x8610];
	_ =	sdelay $0x2  }
0xc5: {  	v0 =	vadd.f32 v1, v0;
	_ =	sdelay $0x1  }
0xc6: {  	v0 =	vadd.f32 v2, v0;
	_ =	sdelay $0x1  }
0xc7: {  	[tilespmem:s11+$0xFFFFFFF0] =	vst v0  }
0xc8: {  	v0 =	vld [tilespmem:s21+$0x620]  }
0xc9: {  	v1 =	vld [tilespmem:s21+$0x4620];
	_ =	sdelay $0x1  }
0xca: {  	v2 =	vld [tilespmem:s21+$0x8620];
	_ =	sdelay $0x2  }
0xcb: {  	v0 =	vadd.f32 v1, v0;
	_ =	sdelay $0x1  }
0xcc: {  	v0 =	vadd.f32 v2, v0;
	_ =	sdelay $0x1  }
0xcd: {  	[tilespmem:s11+$0x0] =	vst v0  }
0xce: {  	v0 =	vld [tilespmem:s21+$0x630]  }
0xcf: {  	v1 =	vld [tilespmem:s21+$0x4630]  }
0xd0: {  	s19 =	simm.s32 $0x200;
	s16 =	simm.s32 $0x18620;
	v2 =	vld [tilespmem:s21+$0x8630]  }
.LBB2_6:
0xd1: {  	_ = 	snop  }
0xd2: {  	p0 =	sne.s32 s19, $0xFE00  }
0xd3: {  	s11 =	sadd.s32 $0x40, s11;
	s21 =	smov.u32 s19;
	s19 =	sadd.s32 $0x200, s19  }
0xd4: {  	v0 =	vadd.f32 v1, v0;
	_ =	sdelay $0x1  }
0xd5: {  	v0 =	vadd.f32 v2, v0  }
0xd6: {  	s21 =	sshra.s32 s21, $0x2  }
0xd7: {  	[tilespmem:s16+$0x10] =	vst v0;
	s16 =	smov.u32 s11  }
0xd8: {  	v0 =	vld [tilespmem:s21+$0x600]  }
0xd9: {  	v1 =	vld [tilespmem:s21+$0x4600];
	_ =	sdelay $0x1  }
0xda: {  	v2 =	vld [tilespmem:s21+$0x8600];
	_ =	sdelay $0x2  }
0xdb: {  	v0 =	vadd.f32 v1, v0;
	_ =	sdelay $0x1  }
0xdc: {  	v0 =	vadd.f32 v2, v0;
	_ =	sdelay $0x1  }
0xdd: {  	[tilespmem:s11+$0xFFFFFFE0] =	vst v0  }
0xde: {  	v0 =	vld [tilespmem:s21+$0x610]  }
0xdf: {  	v1 =	vld [tilespmem:s21+$0x4610];
	_ =	sdelay $0x1  }
0xe0: {  	v2 =	vld [tilespmem:s21+$0x8610];
	_ =	sdelay $0x2  }
0xe1: {  	v0 =	vadd.f32 v1, v0;
	_ =	sdelay $0x1  }
0xe2: {  	v0 =	vadd.f32 v2, v0;
	_ =	sdelay $0x1  }
0xe3: {  	[tilespmem:s11+$0xFFFFFFF0] =	vst v0  }
0xe4: {  	v0 =	vld [tilespmem:s21+$0x620]  }
0xe5: {  	v1 =	vld [tilespmem:s21+$0x4620];
	_ =	sdelay $0x1  }
0xe6: {  	v2 =	vld [tilespmem:s21+$0x8620];
	_ =	sdelay $0x2  }
0xe7: {  	v0 =	vadd.f32 v1, v0;
	_ =	sdelay $0x1  }
0xe8: {  	v0 =	vadd.f32 v2, v0  }
.Ltmp2:
0xe9: {  	(pc) =	sbr.rel @p0 .LBB2_6-.Ltmp2, $4  }
0xea: {  	[tilespmem:s11+$0x0] =	vst v0  }
0xeb: {  	v0 =	vld [tilespmem:s21+$0x630]  }
0xec: {  	v1 =	vld [tilespmem:s21+$0x4630]  }
0xed: {  	v2 =	vld [tilespmem:s21+$0x8630]  }
0xee: {  	_ =	sdelay $0x2  }
0xef: {  	v0 =	vadd.f32 v1, v0;
	_ =	sdelay $0x1  }
0xf0: {  	v0 =	vadd.f32 v2, v0;
	_ =	sdelay $0x1  }
0xf1: {  	s11 =	simm.s32 $0x0;
	[tilespmem:s16+$0x10] =	vst v0  }
0xf2: {  	[hbm4b:s7+s11] =	stream.linear.scatter [tilespmem:s24], [sflag:$0x3], $0x2000, $0x38;
	[tilespmem:$0x1A600] =	vst v63  }
0xf3: {  	_ =	swait.ge [sflag:s12], $0x2000  }
0xf4: {  	[sflag:s12] =	ssyncset.done $0x0  }
0xf5: {  	[sflag:s12] =	ssyncadd.s32 $0xFFFFE000  }
0xf6: {  	_ =	swait.ge [sflag:s29], $0x4000  }
0xf7: {  	[sflag:s29] =	ssyncset.done $0x0  }
0xf8: {  	[sflag:s29] =	ssyncadd.s32 $0xFFFFC000  }
0xf9: {  	_ =	swait.ge [sflag:s29], $0x4000  }
0xfa: {  	[sflag:s29] =	ssyncset.done $0x0  }
0xfb: {  	[sflag:s29] =	ssyncadd.s32 $0xFFFFC000  }
0xfc: {  	_ =	swait.ge [sflag:s29], $0x4000  }
0xfd: {  	[sflag:s29] =	ssyncset.done $0x0  }
0xfe: {  	s21 =	simm.s32 $0x0;
	[sflag:s29] =	ssyncadd.s32 $0xFFFFC000  }
0xff: {  	v0 =	vld [tilespmem:s21+$0xC600]  }
0x100: {  	v1 =	vld [tilespmem:s21+$0x10600];
	_ =	sdelay $0x1  }
0x101: {  	v2 =	vld [tilespmem:s21+$0x14600];
	_ =	sdelay $0x2  }
0x102: {  	v0 =	vadd.f32 v1, v0;
	_ =	sdelay $0x1  }
0x103: {  	v0 =	vadd.f32 v2, v0  }
0x104: {  	s11 =	simm.s32 $0x18620  }
0x105: {  	[tilespmem:s11+$0xFFFFFFE0] =	vst v0  }
0x106: {  	v0 =	vld [tilespmem:s21+$0xC610]  }
0x107: {  	v1 =	vld [tilespmem:s21+$0x10610];
	_ =	sdelay $0x1  }
0x108: {  	v2 =	vld [tilespmem:s21+$0x14610];
	_ =	sdelay $0x2  }
0x109: {  	v0 =	vadd.f32 v1, v0;
	_ =	sdelay $0x1  }
0x10a: {  	v0 =	vadd.f32 v2, v0;
	_ =	sdelay $0x1  }
0x10b: {  	[tilespmem:s11+$0xFFFFFFF0] =	vst v0  }
0x10c: {  	v0 =	vld [tilespmem:s21+$0xC620]  }
0x10d: {  	v1 =	vld [tilespmem:s21+$0x10620];
	_ =	sdelay $0x1  }
0x10e: {  	v2 =	vld [tilespmem:s21+$0x14620];
	_ =	sdelay $0x2  }
0x10f: {  	v0 =	vadd.f32 v1, v0;
	_ =	sdelay $0x1  }
0x110: {  	v0 =	vadd.f32 v2, v0;
	_ =	sdelay $0x1  }
0x111: {  	[tilespmem:s11+$0x0] =	vst v0  }
0x112: {  	v0 =	vld [tilespmem:s21+$0xC630]  }
0x113: {  	v1 =	vld [tilespmem:s21+$0x10630]  }
0x114: {  	s19 =	simm.s32 $0x200;
	s16 =	simm.s32 $0x18620;
	v2 =	vld [tilespmem:s21+$0x14630]  }
.LBB2_8:
0x115: {  	_ = 	snop  }
0x116: {  	p0 =	sne.s32 s19, $0xFE00  }
0x117: {  	s11 =	sadd.s32 $0x40, s11;
	s21 =	smov.u32 s19;
	s19 =	sadd.s32 $0x200, s19  }
0x118: {  	v0 =	vadd.f32 v1, v0;
	_ =	sdelay $0x1  }
0x119: {  	v0 =	vadd.f32 v2, v0  }
0x11a: {  	s21 =	sshra.s32 s21, $0x2  }
0x11b: {  	[tilespmem:s16+$0x10] =	vst v0;
	s16 =	smov.u32 s11  }
0x11c: {  	v0 =	vld [tilespmem:s21+$0xC600]  }
0x11d: {  	v1 =	vld [tilespmem:s21+$0x10600];
	_ =	sdelay $0x1  }
0x11e: {  	v2 =	vld [tilespmem:s21+$0x14600];
	_ =	sdelay $0x2  }
0x11f: {  	v0 =	vadd.f32 v1, v0;
	_ =	sdelay $0x1  }
0x120: {  	v0 =	vadd.f32 v2, v0;
	_ =	sdelay $0x1  }
0x121: {  	[tilespmem:s11+$0xFFFFFFE0] =	vst v0  }
0x122: {  	v0 =	vld [tilespmem:s21+$0xC610]  }
0x123: {  	v1 =	vld [tilespmem:s21+$0x10610];
	_ =	sdelay $0x1  }
0x124: {  	v2 =	vld [tilespmem:s21+$0x14610];
	_ =	sdelay $0x2  }
0x125: {  	v0 =	vadd.f32 v1, v0;
	_ =	sdelay $0x1  }
0x126: {  	v0 =	vadd.f32 v2, v0;
	_ =	sdelay $0x1  }
0x127: {  	[tilespmem:s11+$0xFFFFFFF0] =	vst v0  }
0x128: {  	v0 =	vld [tilespmem:s21+$0xC620]  }
0x129: {  	v1 =	vld [tilespmem:s21+$0x10620];
	_ =	sdelay $0x1  }
0x12a: {  	v2 =	vld [tilespmem:s21+$0x14620];
	_ =	sdelay $0x2  }
0x12b: {  	v0 =	vadd.f32 v1, v0;
	_ =	sdelay $0x1  }
0x12c: {  	v0 =	vadd.f32 v2, v0  }
.Ltmp3:
0x12d: {  	(pc) =	sbr.rel @p0 .LBB2_8-.Ltmp3, $4  }
0x12e: {  	[tilespmem:s11+$0x0] =	vst v0  }
0x12f: {  	v0 =	vld [tilespmem:s21+$0xC630]  }
0x130: {  	v1 =	vld [tilespmem:s21+$0x10630]  }
0x131: {  	v2 =	vld [tilespmem:s21+$0x14630]  }
0x132: {  	_ =	sdelay $0x2  }
0x133: {  	v0 =	vadd.f32 v1, v0;
	_ =	sdelay $0x1  }
0x134: {  	s1 =	sadd.s32 $0x1, s1;
	v0 =	vadd.f32 v2, v0  }
0x135: {  	p0 =	sne.s32 s1, s9  }
.Ltmp4:
0x136: {  	[tilespmem:s16+$0x10] =	vst v0;
	(pc) =	sbr.rel @p0 .LBB2_1-.Ltmp4, $4  }
0x137: {  	[hbm4b:s8+s2] =	stream.linear.scatter [tilespmem:s24], [sflag:$0x3], $0x2000, $0x38;
	[tilespmem:$0x1A600] =	vst v63  }
0x138: {  	_ =	swait.ge [sflag:s12], $0x2000  }
0x139: {  	[sflag:s12] =	ssyncset.done $0x0  }
0x13a: {  	[sflag:s12] =	ssyncadd.s32 $0xFFFFE000  }
0x13b: {  	_ =	sfence.sel $0x180000  }
0x13c: {  	[bflag:$0x0] =	sbarrier.arrive $0xFFFF  }
0x13d: {  	_ =	strace $0x90000047  }
0x13e: {  	s0 =	stileid.u32;
	[bflag:$0x2] =	sbarrier.arrive $0xFFFF  }
0x13f: {  	p0 =	sne.s32 s0, $0x0;
	s0 =	rddreg [dreg:$0x2]  }
0x140: {  	s0 =	sadd.s32 @!p0 $0x100000, s0  }
0x141: {  	[sflag:s0] =	ssyncadd.tile.s32 @!p0 $0x1;
	_ =	shalt  }
.Lfunc_end2:
_tile_overlayer_lowered:
.L_overlay_start_2:
0x142: {  	(tag) =	ssettag $0x2  }
0x143: {  	s0 =	rddreg [dreg:$0x0];
	s2 =	stileid.u32  }
0x144: {  	s1 =	rddreg [dreg:$0x1];
	p0 =	sne.s32 s2, $0x0  }
0x145: {  	s3 =	rddreg [dreg:$0x2];
	[bflag:$0x3] =	sbarrier.arrive $0xFFFF;
	s2 =	simm.s32 @!p0 $0x1C03  }
0x146: {  	[timem:s3], [sflag:s2] =	dma.local @!p0 [hbm:s0], s1  }
0x147: {  	s0 =	simm.s32 @!p0 $0x3  }
0x148: {  	_ =	swait.ge @!p0 [sflag:s0], s1  }
0x149: {  	s1 =	ssub.s32 @!p0 $0x0, s1;
	[sflag:s0] =	ssyncset.done @!p0 $0x0  }
0x14a: {  	[sflag:s0] =	ssyncadd.s32 @!p0 s1  }
0x14b: {  	[bflag:$0x3] =	sbarrier.arrive $0xFFFF  }
0x14c: {  	_ =	shalt  }

</sc_bundles>
